<compile_context>
chip_gen: v7x
topology: tpu7x:2x2x1
jax: 0.10.2.dev20260603
libtpu: 0.0.44.dev20260713+nightly
codegen_flags: <defaults>
</compile_context>

<pallas_src>
import functools

import jax
import jax.numpy as jnp
from jax import lax
from jax.experimental import pallas as pl
from jax.experimental.pallas import tpu as pltpu
from jax.experimental.pallas import tpu_sc as plsc

B = 4
S = 2048
IN_DIM = 1024
HID = 2048
OUT = 2048
SEGS = 2
SEG_LEN = 256

N_EMB = B * SEGS * SEG_LEN
N_TOK = B * S
CAT = SEGS * (SEG_LEN + 1)
N_SEQ = B * (CAT + S)

NC = 2
NS = 16
NW = NC * NS

_sc_mesh = plsc.VectorSubcoreMesh(core_axis_name="c", subcore_axis_name="s")


def _make_sc_gather(n_rows, dim, chunk):
    per_w = n_rows // NW
    n_chunks = per_w // chunk
    assert per_w % chunk == 0 and n_rows % NW == 0 and chunk % 8 == 0

    @functools.partial(
        pl.kernel,
        out_type=jax.ShapeDtypeStruct((n_rows, dim), jnp.float32),
        mesh=_sc_mesh,
        scratch_types=[
            pltpu.VMEM((per_w,), jnp.int32),
            pltpu.VMEM((chunk, dim), jnp.float32),
            pltpu.VMEM((chunk, dim), jnp.float32),
            pltpu.SemaphoreType.DMA,
            pltpu.SemaphoreType.DMA,
            pltpu.SemaphoreType.DMA,
            pltpu.SemaphoreType.DMA,
        ],
    )
    def gather(table_hbm, idx_hbm, out_hbm, idx_v, rows0, rows1,
               sg0, sg1, sw0, sw1):
        wid = lax.axis_index("s") * NC + lax.axis_index("c")
        base = wid * per_w
        pltpu.sync_copy(idx_hbm.at[pl.ds(base, per_w)], idx_v)
        bufs = [(rows0, sg0, sw0), (rows1, sg1, sw1)]
        g = [None] * n_chunks
        w = [None] * n_chunks
        for c in range(n_chunks + 1):
            if c < n_chunks:
                rows, sg, sw = bufs[c % 2]
                if c >= 2:
                    w[c - 2].wait()
                g[c] = pltpu.async_copy(
                    table_hbm.at[idx_v.at[pl.ds(c * chunk, chunk)]], rows, sg)
            if c >= 1:
                rows_p, _, sw_p = bufs[(c - 1) % 2]
                g[c - 1].wait()
                w[c - 1] = pltpu.async_copy(
                    rows_p, out_hbm.at[pl.ds(base + (c - 1) * chunk, chunk)],
                    sw_p)
        for c in range(max(0, n_chunks - 2), n_chunks):
            w[c].wait()

    return gather


_gather_emb = _make_sc_gather(N_EMB, IN_DIM, 16)
_gather_tok = _make_sc_gather(N_TOK, OUT, 16)



_AS_CHUNK = 16


def _copy_rows(src, dst, src_off, dst_off, n_rows, bufs, start_c=0):
    n_chunks = n_rows // _AS_CHUNK
    cw = _AS_CHUNK * OUT
    g = [None] * n_chunks
    w = [None] * n_chunks
    nb = len(bufs)
    for c in range(n_chunks + 1):
        if c < n_chunks:
            rows, sg, sw = bufs[(start_c + c) % nb]
            if c >= nb:
                w[c - nb].wait()
            g[c] = pltpu.async_copy(
                src.at[pl.ds((src_off + c * _AS_CHUNK) * OUT, cw)], rows, sg)
        if c >= 1:
            rows_p, _, sw_p = bufs[(start_c + c - 1) % nb]
            g[c - 1].wait()
            w[c - 1] = pltpu.async_copy(
                rows_p,
                dst.at[pl.ds((dst_off + (c - 1) * _AS_CHUNK) * OUT, cw)],
                sw_p)
    for c in range(max(0, n_chunks - nb), n_chunks):
        w[c].wait()
    return start_c + n_chunks


@functools.partial(
    pl.kernel,
    out_type=jax.ShapeDtypeStruct((N_SEQ * OUT,), jnp.float32),
    mesh=_sc_mesh,
    scratch_types=[
        pltpu.VMEM((_AS_CHUNK * OUT,), jnp.float32),
        pltpu.VMEM((_AS_CHUNK * OUT,), jnp.float32),
        pltpu.VMEM((OUT,), jnp.float32),
        pltpu.SemaphoreType.DMA,
        pltpu.SemaphoreType.DMA,
        pltpu.SemaphoreType.DMA,
        pltpu.SemaphoreType.DMA,
    ],
)
def _assemble(h_hbm, tok_hbm, out_hbm, rows0, rows1, sp_v,
              sg0, sg1, sw0, sw1):
    wid = lax.axis_index("s") * NC + lax.axis_index("c")
    bufs = [(rows0, sg0, sw0), (rows1, sg1, sw1)]
    t0 = wid * 256
    tb = wid // 8
    nxt = _copy_rows(tok_hbm, out_hbm, t0,
                     (CAT + S) * tb + CAT + (t0 - S * tb), 256, bufs)
    g0 = wid * 64
    gb = wid // 8
    gs = (wid % 8) // 4
    gp = (wid % 4) * 64
    _copy_rows(h_hbm, out_hbm, g0,
               (CAT + S) * gb + (SEG_LEN + 1) * gs + gp, 64, bufs,
               start_c=nxt)
    @pl.when(wid < 8)
    def _():
        pltpu.sync_copy(h_hbm.at[pl.ds(N_EMB * OUT, OUT)], sp_v)
        sb = wid // 2
        ss = wid % 2
        pltpu.sync_copy(
            sp_v,
            out_hbm.at[pl.ds(((CAT + S) * sb + (SEG_LEN + 1) * ss + SEG_LEN)
                             * OUT, OUT)])



_CAST_G = 16


def _cast_body(a_ref, b_ref, ao_ref, bo_ref):
    ao_ref[...] = a_ref[...].astype(jnp.bfloat16)
    bo_ref[...] = b_ref[...].astype(jnp.bfloat16)


def _cast_weights(wf1, wf2):
    shapes = [wf1.shape, wf2.shape]
    blocks = [(s[0] // _CAST_G, s[1]) for s in shapes]
    return pl.pallas_call(
        _cast_body,
        grid=(_CAST_G,),
        in_specs=[pl.BlockSpec(blk, lambda i: (i, 0)) for blk in blocks],
        out_specs=[pl.BlockSpec(blk, lambda i: (i, 0)) for blk in blocks],
        out_shape=[jax.ShapeDtypeStruct(s, jnp.bfloat16) for s in shapes],
    )(wf1, wf2)



_BR_ROWS = N_EMB + 128
_BR_TI = 128
_BR_NB = _BR_ROWS // _BR_TI


def _bridge_body(e_ref, sp_ref, w1_ref, b1_ref, w2_ref, b2_ref, o_ref):
    i = pl.program_id(0)
    e = e_ref[...]
    sp = jnp.broadcast_to(sp_ref[...], e.shape)
    e = jnp.where(i == _BR_NB - 1, sp, e)
    h = jnp.dot(e, w1_ref[...], preferred_element_type=jnp.float32)
    h = jax.nn.gelu(h + b1_ref[...])
    o_ref[...] = (
        jnp.dot(h, w2_ref[...], preferred_element_type=jnp.float32)
        + b2_ref[...]
    )


def _bridge_call(e_rows, special_tok, w1, b1, w2, b2):
    nb = _BR_NB
    return pl.pallas_call(
        _bridge_body,
        grid=(nb,),
        in_specs=[
            pl.BlockSpec((_BR_TI, IN_DIM),
                         lambda i: (jnp.minimum(i, nb - 2), 0)),
            pl.BlockSpec((1, IN_DIM), lambda i: (0, 0)),
            pl.BlockSpec((IN_DIM, HID), lambda i: (0, 0)),
            pl.BlockSpec((1, HID), lambda i: (0, 0)),
            pl.BlockSpec((HID, OUT), lambda i: (0, 0)),
            pl.BlockSpec((1, OUT), lambda i: (0, 0)),
        ],
        out_specs=pl.BlockSpec((_BR_TI, OUT), lambda i: (i, 0)),
        out_shape=jax.ShapeDtypeStruct((_BR_ROWS, OUT), jnp.float32),
    )(e_rows, special_tok, w1, b1, w2, b2)





def _ffn_body(seq_ref, wf1_ref, wf2_ref, o_ref, ln_ref):
    j = pl.program_id(1)

    @pl.when(j == 0)
    def _():
        s = seq_ref[...]
        mu = jnp.mean(s, axis=1, keepdims=True)
        var = jnp.mean((s - mu) ** 2, axis=1, keepdims=True)
        ln_ref[...] = ((s - mu) * lax.rsqrt(var + 1e-5)).astype(jnp.bfloat16)
        o_ref[...] = s

    t = jnp.dot(ln_ref[...], wf1_ref[...], preferred_element_type=jnp.float32)
    r = jnp.maximum(t, 0.0).astype(jnp.bfloat16)
    o_ref[...] += jnp.dot(r, wf2_ref[...], preferred_element_type=jnp.float32)


def _ffn_call(seq, wf1, wf2, ti, tj, n=None, base=0):
    if n is None:
        n = seq.shape[0]
    assert n % ti == 0 and base % ti == 0
    boff = base // ti
    return pl.pallas_call(
        _ffn_body,
        grid=(n // ti, (4 * OUT) // tj),
        in_specs=[
            pl.BlockSpec((ti, OUT), lambda i, j: (i + boff, 0)),
            pl.BlockSpec((OUT, tj), lambda i, j: (0, j)),
            pl.BlockSpec((tj, OUT), lambda i, j: (j, 0)),
        ],
        out_specs=pl.BlockSpec((ti, OUT), lambda i, j: (i, 0)),
        out_shape=jax.ShapeDtypeStruct((n, OUT), jnp.float32),
        scratch_shapes=[pltpu.VMEM((ti, OUT), jnp.bfloat16)],
        compiler_params=pltpu.CompilerParams(
            vmem_limit_bytes=63 * 1024 * 1024),
    )(seq, wf1, wf2)


def kernel(x, embeddings, emb_table, special_tok, W1, b1, W2, b2,
           tok_table, Wf1, Wf2):
    x = x.astype(jnp.int32)
    embeddings = embeddings.astype(jnp.int32)

    tok_rows = _gather_tok(tok_table, x)
    e_rows = _gather_emb(emb_table, embeddings)

    wf1, wf2 = _cast_weights(Wf1, Wf2)

    h = _bridge_call(e_rows, special_tok, W1, b1.reshape(1, HID),
                     W2, b2.reshape(1, OUT))

    out_h = _ffn_call(h, wf1, wf2, 1088, 512)
    out_tok = _ffn_call(tok_rows, wf1, wf2, 1024, 512)

    g = out_h[:N_EMB].reshape(B, SEGS * SEG_LEN, OUT)
    sp = jnp.broadcast_to(out_h[N_EMB:N_EMB + 1].reshape(1, 1, OUT),
                          (B, 1, OUT))
    t = out_tok.reshape(B, S, OUT)
    return jnp.concatenate(
        [g[:, :SEG_LEN], sp, g[:, SEG_LEN:], sp, t], axis=1)

# --- scband reference (transcript-rebuilt; emitter-appended) ---
"""Pipeline reference for scband-embed-aug-pipeline-15556371546846 (READ-ONLY COPY).

The authoritative reference and input builder live on the scoring server;
editing this copy changes nothing except your own understanding.
"""

import jax, jax.numpy as jnp
import numpy as np

B = 4
S = 2048
VOCAB = 32000
IN_DIM = 1024
HID = 2048
OUT = 2048
SEGS = 2
SEG_LEN = 256


def setup_inputs(seed: int = 0) -> dict:
    key = jax.random.key(seed)
    ks = jax.random.split(key, 12)
    x = jax.random.randint(ks[0], (B * S,), 0, VOCAB, dtype=jnp.int64 if jax.config.jax_enable_x64 else jnp.int32)
    embeddings = jax.random.randint(ks[1], (B * SEGS * SEG_LEN,), 0, VOCAB, dtype=jnp.int64 if jax.config.jax_enable_x64 else jnp.int32)
    emb_table = jax.random.normal(ks[2], (VOCAB, IN_DIM), jnp.float32) * 0.02
    special_tok = jax.random.normal(ks[3], (1, IN_DIM), jnp.float32) * 0.02
    W1 = jax.random.normal(ks[4], (IN_DIM, HID), jnp.float32) * 0.02
    b1 = jnp.zeros((HID,), jnp.float32)
    W2 = jax.random.normal(ks[5], (HID, OUT), jnp.float32) * 0.02
    b2 = jnp.zeros((OUT,), jnp.float32)
    tok_table = jax.random.normal(ks[6], (VOCAB, OUT), jnp.float32) * 0.02
    Wf1 = jax.random.normal(ks[7], (OUT, 4 * OUT), jnp.float32) * 0.02
    Wf2 = jax.random.normal(ks[8], (4 * OUT, OUT), jnp.float32) * 0.02
    return {"x": x, "embeddings": embeddings, "emb_table": emb_table,
            "special_tok": special_tok, "W1": W1, "b1": b1, "W2": W2, "b2": b2,
            "tok_table": tok_table, "Wf1": Wf1, "Wf2": Wf2}


def reference(x, embeddings, emb_table, special_tok, W1, b1, W2, b2, tok_table, Wf1, Wf2):
    # 1) Embedder forward: per-token embeddings for the to-embed sequences
    e = jnp.take(emb_table, embeddings, axis=0)  # [B*SEGS*SEG_LEN, IN_DIM]
    e = e.reshape(B * SEGS, SEG_LEN, IN_DIM)
    # 2) Append special continuation token after each embedded segment
    sp = jnp.broadcast_to(special_tok.reshape(1, 1, IN_DIM), (B * SEGS, 1, IN_DIM))
    e = jnp.concatenate([e, sp], axis=1)  # [B*SEGS, SEG_LEN+1, IN_DIM]
    e = e.reshape(B * SEGS * (SEG_LEN + 1), IN_DIM)
    # 3) Bridge module (EmbProjector, MLP type): in_dim -> hidden -> out_dim
    h = jax.nn.gelu(e @ W1 + b1) @ W2 + b2  # [B*SEGS*(SEG_LEN+1), OUT]
    cat = h.reshape(B, SEGS * (SEG_LEN + 1), OUT)
    # 4) LLM forward with concatenated cat_embeddings + token embeddings
    tok = jnp.take(tok_table, x, axis=0).reshape(B, S, OUT)
    seq = jnp.concatenate([cat, tok], axis=1)  # [B, SEGS*(SEG_LEN+1)+S, OUT]
    # simplified transformer block: LN + MLP residual
    mu = jnp.mean(seq, axis=-1, keepdims=True)
    var = jnp.var(seq, axis=-1, keepdims=True)
    ln = (seq - mu) / jnp.sqrt(var + 1e-5)
    out = seq + jax.nn.relu(ln @ Wf1) @ Wf2
    return out

if __name__ == "__main__":
    import jax
    _d = setup_inputs()
    print(jax.jit(kernel)(*tuple(_d.values())))

</pallas_src>

<mosaic_0001>
#map = affine_map<(d0, d1) -> (0, 0)>
#map1 = affine_map<(d0, d1) -> (0)>
module attributes {stable_mosaic.version = 14 : i64} {
  func.func @gather(%arg0: i32, %arg1: i32, %arg2: memref<32000x1024xf32, #tpu.memory_space<hbm>>, %arg3: memref<2048xi32, #tpu.memory_space<hbm>>, %arg4: memref<2048x1024xf32, #tpu.memory_space<hbm>>, %arg5: memref<64xi32, #tpu.memory_space<vmem>>, %arg6: memref<16x1024xf32, #tpu.memory_space<vmem>>, %arg7: memref<16x1024xf32, #tpu.memory_space<vmem>>, %arg8: memref<!tpu.dma_semaphore, #tpu.memory_space<semaphore_mem>>, %arg9: memref<!tpu.dma_semaphore, #tpu.memory_space<semaphore_mem>>, %arg10: memref<!tpu.dma_semaphore, #tpu.memory_space<semaphore_mem>>, %arg11: memref<!tpu.dma_semaphore, #tpu.memory_space<semaphore_mem>>) attributes {dimension_semantics = [#tpu.dimension_semantics<core_parallel>, #tpu.dimension_semantics<subcore_parallel>], iteration_bounds = array<i64: 2, 16>, scalar_prefetch = 0 : i64, scratch_operands = 7 : i64, tpu.core_type = #tpu.core_type<sc_vector_subcore>, window_params = [{transform_indices = #map}, {transform_indices = #map1}, {transform_indices = #map}]} {
    %mul3A = arith.constant 2 : i32
    %mul3A_0 = arith.muli %arg1, %mul3A : i32
    %add3A = arith.addi %mul3A_0, %arg0 : i32
    %mul3A_1 = arith.constant 64 : i32
    %mul3A_2 = arith.muli %add3A, %mul3A_1 : i32
    "tpu.region"() ({
      %run_scoped3A = tpu.sem_alloc : memref<!tpu.dma_semaphore, #tpu.memory_space<semaphore_mem>>
      %dma_start3A_81 = tpu.memref_slice %arg3[%mul3A_2] : memref<2048xi32, #tpu.memory_space<hbm>> -> memref<64xi32, #tpu.memory_space<hbm>>
      %dma_start3A_82 = tpu.memref_slice %arg3[%mul3A_2] : memref<2048xi32, #tpu.memory_space<hbm>> -> memref<64xi32, #tpu.memory_space<hbm>>
      tpu.enqueue_dma source(%dma_start3A_82 : memref<64xi32, #tpu.memory_space<hbm>>) target(%arg5 : memref<64xi32, #tpu.memory_space<vmem>>) target_semaphore(%run_scoped3A : memref<!tpu.dma_semaphore, #tpu.memory_space<semaphore_mem>>)
      %dma_wait3A_83 = tpu.memref_slice %arg3[%mul3A_2] : memref<2048xi32, #tpu.memory_space<hbm>> -> memref<64xi32, #tpu.memory_space<hbm>>
      %dma_wait3A_84 = tpu.memref_slice %arg3[%mul3A_2] : memref<2048xi32, #tpu.memory_space<hbm>> -> memref<64xi32, #tpu.memory_space<hbm>>
      tpu.wait_dma2 semaphore(%run_scoped3A : memref<!tpu.dma_semaphore, #tpu.memory_space<semaphore_mem>>) src(%dma_wait3A_84 : memref<64xi32, #tpu.memory_space<hbm>>) dst(%arg5 : memref<64xi32, #tpu.memory_space<vmem>>)
      tpu.yield
    }) : () -> ()
    %dma_start3A = arith.constant 0 : i32
    %dma_start3A_3 = tpu.memref_slice %arg5[%dma_start3A] : memref<64xi32, #tpu.memory_space<vmem>> -> memref<16xi32, #tpu.memory_space<vmem>>
    %dma_start3A_4 = arith.constant 0 : i32
    %dma_start3A_5 = arith.constant 0 : i32
    %dma_start3A_6 = tpu.memref_slice %arg2[%dma_start3A_4, %dma_start3A_5] : memref<32000x1024xf32, #tpu.memory_space<hbm>> -> memref<32000x1024xf32, #tpu.memory_space<hbm>>
    tpu.enqueue_indirect_dma source(%dma_start3A_6 : memref<32000x1024xf32, #tpu.memory_space<hbm>>) target(%arg6 : memref<16x1024xf32, #tpu.memory_space<vmem>>) offsets(%dma_start3A_3 : memref<16xi32, #tpu.memory_space<vmem>>) semaphore(%arg8 : memref<!tpu.dma_semaphore, #tpu.memory_space<semaphore_mem>>)
    %dma_start3A_7 = arith.constant 16 : i32
    %dma_start3A_8 = tpu.memref_slice %arg5[%dma_start3A_7] : memref<64xi32, #tpu.memory_space<vmem>> -> memref<16xi32, #tpu.memory_space<vmem>>
    %dma_start3A_9 = arith.constant 0 : i32
    %dma_start3A_10 = arith.constant 0 : i32
    %dma_start3A_11 = tpu.memref_slice %arg2[%dma_start3A_9, %dma_start3A_10] : memref<32000x1024xf32, #tpu.memory_space<hbm>> -> memref<32000x1024xf32, #tpu.memory_space<hbm>>
    tpu.enqueue_indirect_dma source(%dma_start3A_11 : memref<32000x1024xf32, #tpu.memory_space<hbm>>) target(%arg7 : memref<16x1024xf32, #tpu.memory_space<vmem>>) offsets(%dma_start3A_8 : memref<16xi32, #tpu.memory_space<vmem>>) semaphore(%arg9 : memref<!tpu.dma_semaphore, #tpu.memory_space<semaphore_mem>>)
    %dma_wait3A = arith.constant 0 : i32
    %dma_wait3A_12 = tpu.memref_slice %arg5[%dma_wait3A] : memref<64xi32, #tpu.memory_space<vmem>> -> memref<16xi32, #tpu.memory_space<vmem>>
    %dma_wait3A_13 = arith.constant 0 : i32
    %dma_wait3A_14 = arith.constant 0 : i32
    %dma_wait3A_15 = tpu.memref_slice %arg2[%dma_wait3A_13, %dma_wait3A_14] : memref<32000x1024xf32, #tpu.memory_space<hbm>> -> memref<32000x1024xf32, #tpu.memory_space<hbm>>
    tpu.wait_indirect_dma semaphore(%arg8 : memref<!tpu.dma_semaphore, #tpu.memory_space<semaphore_mem>>) src(%dma_wait3A_15 : memref<32000x1024xf32, #tpu.memory_space<hbm>>) dst(%arg6 : memref<16x1024xf32, #tpu.memory_space<vmem>>)
    %add3A_16 = arith.constant 0 : i32
    %add3A_17 = arith.addi %mul3A_2, %add3A_16 : i32
    %dma_start3A_18 = arith.constant 0 : i32
    %dma_start3A_19 = tpu.memref_slice %arg4[%add3A_17, %dma_start3A_18] : memref<2048x1024xf32, #tpu.memory_space<hbm>> -> memref<16x1024xf32, #tpu.memory_space<hbm>>
    %dma_start3A_20 = arith.constant 0 : i32
    %dma_start3A_21 = tpu.memref_slice %arg4[%add3A_17, %dma_start3A_20] : memref<2048x1024xf32, #tpu.memory_space<hbm>> -> memref<16x1024xf32, #tpu.memory_space<hbm>>
    tpu.enqueue_dma source(%arg6 : memref<16x1024xf32, #tpu.memory_space<vmem>>) target(%dma_start3A_21 : memref<16x1024xf32, #tpu.memory_space<hbm>>) target_semaphore(%arg10 : memref<!tpu.dma_semaphore, #tpu.memory_space<semaphore_mem>>)
    %dma_wait3A_22 = arith.constant 0 : i32
    %dma_wait3A_23 = tpu.memref_slice %arg4[%add3A_17, %dma_wait3A_22] : memref<2048x1024xf32, #tpu.memory_space<hbm>> -> memref<16x1024xf32, #tpu.memory_space<hbm>>
    %dma_wait3A_24 = arith.constant 0 : i32
    %dma_wait3A_25 = tpu.memref_slice %arg4[%add3A_17, %dma_wait3A_24] : memref<2048x1024xf32, #tpu.memory_space<hbm>> -> memref<16x1024xf32, #tpu.memory_space<hbm>>
    tpu.wait_dma2 semaphore(%arg10 : memref<!tpu.dma_semaphore, #tpu.memory_space<semaphore_mem>>) src(%arg6 : memref<16x1024xf32, #tpu.memory_space<vmem>>) dst(%dma_wait3A_25 : memref<16x1024xf32, #tpu.memory_space<hbm>>)
    %dma_start3A_26 = arith.constant 32 : i32
    %dma_start3A_27 = tpu.memref_slice %arg5[%dma_start3A_26] : memref<64xi32, #tpu.memory_space<vmem>> -> memref<16xi32, #tpu.memory_space<vmem>>
    %dma_start3A_28 = arith.constant 0 : i32
    %dma_start3A_29 = arith.constant 0 : i32
    %dma_start3A_30 = tpu.memref_slice %arg2[%dma_start3A_28, %dma_start3A_29] : memref<32000x1024xf32, #tpu.memory_space<hbm>> -> memref<32000x1024xf32, #tpu.memory_space<hbm>>
    tpu.enqueue_indirect_dma source(%dma_start3A_30 : memref<32000x1024xf32, #tpu.memory_space<hbm>>) target(%arg6 : memref<16x1024xf32, #tpu.memory_space<vmem>>) offsets(%dma_start3A_27 : memref<16xi32, #tpu.memory_space<vmem>>) semaphore(%arg8 : memref<!tpu.dma_semaphore, #tpu.memory_space<semaphore_mem>>)
    %dma_wait3A_31 = arith.constant 16 : i32
    %dma_wait3A_32 = tpu.memref_slice %arg5[%dma_wait3A_31] : memref<64xi32, #tpu.memory_space<vmem>> -> memref<16xi32, #tpu.memory_space<vmem>>
    %dma_wait3A_33 = arith.constant 0 : i32
    %dma_wait3A_34 = arith.constant 0 : i32
    %dma_wait3A_35 = tpu.memref_slice %arg2[%dma_wait3A_33, %dma_wait3A_34] : memref<32000x1024xf32, #tpu.memory_space<hbm>> -> memref<32000x1024xf32, #tpu.memory_space<hbm>>
    tpu.wait_indirect_dma semaphore(%arg9 : memref<!tpu.dma_semaphore, #tpu.memory_space<semaphore_mem>>) src(%dma_wait3A_35 : memref<32000x1024xf32, #tpu.memory_space<hbm>>) dst(%arg7 : memref<16x1024xf32, #tpu.memory_space<vmem>>)
    %add3A_36 = arith.constant 16 : i32
    %add3A_37 = arith.addi %mul3A_2, %add3A_36 : i32
    %dma_start3A_38 = arith.constant 0 : i32
    %dma_start3A_39 = tpu.memref_slice %arg4[%add3A_37, %dma_start3A_38] : memref<2048x1024xf32, #tpu.memory_space<hbm>> -> memref<16x1024xf32, #tpu.memory_space<hbm>>
    %dma_start3A_40 = arith.constant 0 : i32
    %dma_start3A_41 = tpu.memref_slice %arg4[%add3A_37, %dma_start3A_40] : memref<2048x1024xf32, #tpu.memory_space<hbm>> -> memref<16x1024xf32, #tpu.memory_space<hbm>>
    tpu.enqueue_dma source(%arg7 : memref<16x1024xf32, #tpu.memory_space<vmem>>) target(%dma_start3A_41 : memref<16x1024xf32, #tpu.memory_space<hbm>>) target_semaphore(%arg11 : memref<!tpu.dma_semaphore, #tpu.memory_space<semaphore_mem>>)
    %dma_wait3A_42 = arith.constant 0 : i32
    %dma_wait3A_43 = tpu.memref_slice %arg4[%add3A_37, %dma_wait3A_42] : memref<2048x1024xf32, #tpu.memory_space<hbm>> -> memref<16x1024xf32, #tpu.memory_space<hbm>>
    %dma_wait3A_44 = arith.constant 0 : i32
    %dma_wait3A_45 = tpu.memref_slice %arg4[%add3A_37, %dma_wait3A_44] : memref<2048x1024xf32, #tpu.memory_space<hbm>> -> memref<16x1024xf32, #tpu.memory_space<hbm>>
    tpu.wait_dma2 semaphore(%arg11 : memref<!tpu.dma_semaphore, #tpu.memory_space<semaphore_mem>>) src(%arg7 : memref<16x1024xf32, #tpu.memory_space<vmem>>) dst(%dma_wait3A_45 : memref<16x1024xf32, #tpu.memory_space<hbm>>)
    %dma_start3A_46 = arith.constant 48 : i32
    %dma_start3A_47 = tpu.memref_slice %arg5[%dma_start3A_46] : memref<64xi32, #tpu.memory_space<vmem>> -> memref<16xi32, #tpu.memory_space<vmem>>
    %dma_start3A_48 = arith.constant 0 : i32
    %dma_start3A_49 = arith.constant 0 : i32
    %dma_start3A_50 = tpu.memref_slice %arg2[%dma_start3A_48, %dma_start3A_49] : memref<32000x1024xf32, #tpu.memory_space<hbm>> -> memref<32000x1024xf32, #tpu.memory_space<hbm>>
    tpu.enqueue_indirect_dma source(%dma_start3A_50 : memref<32000x1024xf32, #tpu.memory_space<hbm>>) target(%arg7 : memref<16x1024xf32, #tpu.memory_space<vmem>>) offsets(%dma_start3A_47 : memref<16xi32, #tpu.memory_space<vmem>>) semaphore(%arg9 : memref<!tpu.dma_semaphore, #tpu.memory_space<semaphore_mem>>)
    %dma_wait3A_51 = arith.constant 32 : i32
    %dma_wait3A_52 = tpu.memref_slice %arg5[%dma_wait3A_51] : memref<64xi32, #tpu.memory_space<vmem>> -> memref<16xi32, #tpu.memory_space<vmem>>
    %dma_wait3A_53 = arith.constant 0 : i32
    %dma_wait3A_54 = arith.constant 0 : i32
    %dma_wait3A_55 = tpu.memref_slice %arg2[%dma_wait3A_53, %dma_wait3A_54] : memref<32000x1024xf32, #tpu.memory_space<hbm>> -> memref<32000x1024xf32, #tpu.memory_space<hbm>>
    tpu.wait_indirect_dma semaphore(%arg8 : memref<!tpu.dma_semaphore, #tpu.memory_space<semaphore_mem>>) src(%dma_wait3A_55 : memref<32000x1024xf32, #tpu.memory_space<hbm>>) dst(%arg6 : memref<16x1024xf32, #tpu.memory_space<vmem>>)
    %add3A_56 = arith.constant 32 : i32
    %add3A_57 = arith.addi %mul3A_2, %add3A_56 : i32
    %dma_start3A_58 = arith.constant 0 : i32
    %dma_start3A_59 = tpu.memref_slice %arg4[%add3A_57, %dma_start3A_58] : memref<2048x1024xf32, #tpu.memory_space<hbm>> -> memref<16x1024xf32, #tpu.memory_space<hbm>>
    %dma_start3A_60 = arith.constant 0 : i32
    %dma_start3A_61 = tpu.memref_slice %arg4[%add3A_57, %dma_start3A_60] : memref<2048x1024xf32, #tpu.memory_space<hbm>> -> memref<16x1024xf32, #tpu.memory_space<hbm>>
    tpu.enqueue_dma source(%arg6 : memref<16x1024xf32, #tpu.memory_space<vmem>>) target(%dma_start3A_61 : memref<16x1024xf32, #tpu.memory_space<hbm>>) target_semaphore(%arg10 : memref<!tpu.dma_semaphore, #tpu.memory_space<semaphore_mem>>)
    %dma_wait3A_62 = arith.constant 48 : i32
    %dma_wait3A_63 = tpu.memref_slice %arg5[%dma_wait3A_62] : memref<64xi32, #tpu.memory_space<vmem>> -> memref<16xi32, #tpu.memory_space<vmem>>
    %dma_wait3A_64 = arith.constant 0 : i32
    %dma_wait3A_65 = arith.constant 0 : i32
    %dma_wait3A_66 = tpu.memref_slice %arg2[%dma_wait3A_64, %dma_wait3A_65] : memref<32000x1024xf32, #tpu.memory_space<hbm>> -> memref<32000x1024xf32, #tpu.memory_space<hbm>>
    tpu.wait_indirect_dma semaphore(%arg9 : memref<!tpu.dma_semaphore, #tpu.memory_space<semaphore_mem>>) src(%dma_wait3A_66 : memref<32000x1024xf32, #tpu.memory_space<hbm>>) dst(%arg7 : memref<16x1024xf32, #tpu.memory_space<vmem>>)
    %add3A_67 = arith.constant 48 : i32
    %add3A_68 = arith.addi %mul3A_2, %add3A_67 : i32
    %dma_start3A_69 = arith.constant 0 : i32
    %dma_start3A_70 = tpu.memref_slice %arg4[%add3A_68, %dma_start3A_69] : memref<2048x1024xf32, #tpu.memory_space<hbm>> -> memref<16x1024xf32, #tpu.memory_space<hbm>>
    %dma_start3A_71 = arith.constant 0 : i32
    %dma_start3A_72 = tpu.memref_slice %arg4[%add3A_68, %dma_start3A_71] : memref<2048x1024xf32, #tpu.memory_space<hbm>> -> memref<16x1024xf32, #tpu.memory_space<hbm>>
    tpu.enqueue_dma source(%arg7 : memref<16x1024xf32, #tpu.memory_space<vmem>>) target(%dma_start3A_72 : memref<16x1024xf32, #tpu.memory_space<hbm>>) target_semaphore(%arg11 : memref<!tpu.dma_semaphore, #tpu.memory_space<semaphore_mem>>)
    %dma_wait3A_73 = arith.constant 0 : i32
    %dma_wait3A_74 = tpu.memref_slice %arg4[%add3A_57, %dma_wait3A_73] : memref<2048x1024xf32, #tpu.memory_space<hbm>> -> memref<16x1024xf32, #tpu.memory_space<hbm>>
    %dma_wait3A_75 = arith.constant 0 : i32
    %dma_wait3A_76 = tpu.memref_slice %arg4[%add3A_57, %dma_wait3A_75] : memref<2048x1024xf32, #tpu.memory_space<hbm>> -> memref<16x1024xf32, #tpu.memory_space<hbm>>
    tpu.wait_dma2 semaphore(%arg10 : memref<!tpu.dma_semaphore, #tpu.memory_space<semaphore_mem>>) src(%arg6 : memref<16x1024xf32, #tpu.memory_space<vmem>>) dst(%dma_wait3A_76 : memref<16x1024xf32, #tpu.memory_space<hbm>>)
    %dma_wait3A_77 = arith.constant 0 : i32
    %dma_wait3A_78 = tpu.memref_slice %arg4[%add3A_68, %dma_wait3A_77] : memref<2048x1024xf32, #tpu.memory_space<hbm>> -> memref<16x1024xf32, #tpu.memory_space<hbm>>
    %dma_wait3A_79 = arith.constant 0 : i32
    %dma_wait3A_80 = tpu.memref_slice %arg4[%add3A_68, %dma_wait3A_79] : memref<2048x1024xf32, #tpu.memory_space<hbm>> -> memref<16x1024xf32, #tpu.memory_space<hbm>>
    tpu.wait_dma2 semaphore(%arg11 : memref<!tpu.dma_semaphore, #tpu.memory_space<semaphore_mem>>) src(%arg7 : memref<16x1024xf32, #tpu.memory_space<vmem>>) dst(%dma_wait3A_80 : memref<16x1024xf32, #tpu.memory_space<hbm>>)
    return
  }
}

#map = affine_map<(d0, d1) -> (0, 0)>
#map1 = affine_map<(d0, d1) -> (0)>
module attributes {stable_mosaic.version = 14 : i64} {
  func.func @gather(%arg0: i32, %arg1: i32, %arg2: memref<32000x2048xf32, #tpu.memory_space<hbm>>, %arg3: memref<8192xi32, #tpu.memory_space<hbm>>, %arg4: memref<8192x2048xf32, #tpu.memory_space<hbm>>, %arg5: memref<256xi32, #tpu.memory_space<vmem>>, %arg6: memref<16x2048xf32, #tpu.memory_space<vmem>>, %arg7: memref<16x2048xf32, #tpu.memory_space<vmem>>, %arg8: memref<!tpu.dma_semaphore, #tpu.memory_space<semaphore_mem>>, %arg9: memref<!tpu.dma_semaphore, #tpu.memory_space<semaphore_mem>>, %arg10: memref<!tpu.dma_semaphore, #tpu.memory_space<semaphore_mem>>, %arg11: memref<!tpu.dma_semaphore, #tpu.memory_space<semaphore_mem>>) attributes {dimension_semantics = [#tpu.dimension_semantics<core_parallel>, #tpu.dimension_semantics<subcore_parallel>], iteration_bounds = array<i64: 2, 16>, scalar_prefetch = 0 : i64, scratch_operands = 7 : i64, tpu.core_type = #tpu.core_type<sc_vector_subcore>, window_params = [{transform_indices = #map}, {transform_indices = #map1}, {transform_indices = #map}]} {
    %mul3A = arith.constant 2 : i32
    %mul3A_0 = arith.muli %arg1, %mul3A : i32
    %add3A = arith.addi %mul3A_0, %arg0 : i32
    %mul3A_1 = arith.constant 256 : i32
    %mul3A_2 = arith.muli %add3A, %mul3A_1 : i32
    "tpu.region"() ({
      %run_scoped3A = tpu.sem_alloc : memref<!tpu.dma_semaphore, #tpu.memory_space<semaphore_mem>>
      %dma_start3A_321 = tpu.memref_slice %arg3[%mul3A_2] : memref<8192xi32, #tpu.memory_space<hbm>> -> memref<256xi32, #tpu.memory_space<hbm>>
      %dma_start3A_322 = tpu.memref_slice %arg3[%mul3A_2] : memref<8192xi32, #tpu.memory_space<hbm>> -> memref<256xi32, #tpu.memory_space<hbm>>
      tpu.enqueue_dma source(%dma_start3A_322 : memref<256xi32, #tpu.memory_space<hbm>>) target(%arg5 : memref<256xi32, #tpu.memory_space<vmem>>) target_semaphore(%run_scoped3A : memref<!tpu.dma_semaphore, #tpu.memory_space<semaphore_mem>>)
      %dma_wait3A_323 = tpu.memref_slice %arg3[%mul3A_2] : memref<8192xi32, #tpu.memory_space<hbm>> -> memref<256xi32, #tpu.memory_space<hbm>>
      %dma_wait3A_324 = tpu.memref_slice %arg3[%mul3A_2] : memref<8192xi32, #tpu.memory_space<hbm>> -> memref<256xi32, #tpu.memory_space<hbm>>
      tpu.wait_dma2 semaphore(%run_scoped3A : memref<!tpu.dma_semaphore, #tpu.memory_space<semaphore_mem>>) src(%dma_wait3A_324 : memref<256xi32, #tpu.memory_space<hbm>>) dst(%arg5 : memref<256xi32, #tpu.memory_space<vmem>>)
      tpu.yield
    }) : () -> ()
    %dma_start3A = arith.constant 0 : i32
    %dma_start3A_3 = tpu.memref_slice %arg5[%dma_start3A] : memref<256xi32, #tpu.memory_space<vmem>> -> memref<16xi32, #tpu.memory_space<vmem>>
    %dma_start3A_4 = arith.constant 0 : i32
    %dma_start3A_5 = arith.constant 0 : i32
    %dma_start3A_6 = tpu.memref_slice %arg2[%dma_start3A_4, %dma_start3A_5] : memref<32000x2048xf32, #tpu.memory_space<hbm>> -> memref<32000x2048xf32, #tpu.memory_space<hbm>>
    tpu.enqueue_indirect_dma source(%dma_start3A_6 : memref<32000x2048xf32, #tpu.memory_space<hbm>>) target(%arg6 : memref<16x2048xf32, #tpu.memory_space<vmem>>) offsets(%dma_start3A_3 : memref<16xi32, #tpu.memory_space<vmem>>) semaphore(%arg8 : memref<!tpu.dma_semaphore, #tpu.memory_space<semaphore_mem>>)
    %dma_start3A_7 = arith.constant 16 : i32
    %dma_start3A_8 = tpu.memref_slice %arg5[%dma_start3A_7] : memref<256xi32, #tpu.memory_space<vmem>> -> memref<16xi32, #tpu.memory_space<vmem>>
    %dma_start3A_9 = arith.constant 0 : i32
    %dma_start3A_10 = arith.constant 0 : i32
    %dma_start3A_11 = tpu.memref_slice %arg2[%dma_start3A_9, %dma_start3A_10] : memref<32000x2048xf32, #tpu.memory_space<hbm>> -> memref<32000x2048xf32, #tpu.memory_space<hbm>>
    tpu.enqueue_indirect_dma source(%dma_start3A_11 : memref<32000x2048xf32, #tpu.memory_space<hbm>>) target(%arg7 : memref<16x2048xf32, #tpu.memory_space<vmem>>) offsets(%dma_start3A_8 : memref<16xi32, #tpu.memory_space<vmem>>) semaphore(%arg9 : memref<!tpu.dma_semaphore, #tpu.memory_space<semaphore_mem>>)
    %dma_wait3A = arith.constant 0 : i32
    %dma_wait3A_12 = tpu.memref_slice %arg5[%dma_wait3A] : memref<256xi32, #tpu.memory_space<vmem>> -> memref<16xi32, #tpu.memory_space<vmem>>
    %dma_wait3A_13 = arith.constant 0 : i32
    %dma_wait3A_14 = arith.constant 0 : i32
    %dma_wait3A_15 = tpu.memref_slice %arg2[%dma_wait3A_13, %dma_wait3A_14] : memref<32000x2048xf32, #tpu.memory_space<hbm>> -> memref<32000x2048xf32, #tpu.memory_space<hbm>>
    tpu.wait_indirect_dma semaphore(%arg8 : memref<!tpu.dma_semaphore, #tpu.memory_space<semaphore_mem>>) src(%dma_wait3A_15 : memref<32000x2048xf32, #tpu.memory_space<hbm>>) dst(%arg6 : memref<16x2048xf32, #tpu.memory_space<vmem>>)
    %add3A_16 = arith.constant 0 : i32
    %add3A_17 = arith.addi %mul3A_2, %add3A_16 : i32
    %dma_start3A_18 = arith.constant 0 : i32
    %dma_start3A_19 = tpu.memref_slice %arg4[%add3A_17, %dma_start3A_18] : memref<8192x2048xf32, #tpu.memory_space<hbm>> -> memref<16x2048xf32, #tpu.memory_space<hbm>>
    %dma_start3A_20 = arith.constant 0 : i32
    %dma_start3A_21 = tpu.memref_slice %arg4[%add3A_17, %dma_start3A_20] : memref<8192x2048xf32, #tpu.memory_space<hbm>> -> memref<16x2048xf32, #tpu.memory_space<hbm>>
    tpu.enqueue_dma source(%arg6 : memref<16x2048xf32, #tpu.memory_space<vmem>>) target(%dma_start3A_21 : memref<16x2048xf32, #tpu.memory_space<hbm>>) target_semaphore(%arg10 : memref<!tpu.dma_semaphore, #tpu.memory_space<semaphore_mem>>)
    %dma_wait3A_22 = arith.constant 0 : i32
    %dma_wait3A_23 = tpu.memref_slice %arg4[%add3A_17, %dma_wait3A_22] : memref<8192x2048xf32, #tpu.memory_space<hbm>> -> memref<16x2048xf32, #tpu.memory_space<hbm>>
    %dma_wait3A_24 = arith.constant 0 : i32
    %dma_wait3A_25 = tpu.memref_slice %arg4[%add3A_17, %dma_wait3A_24] : memref<8192x2048xf32, #tpu.memory_space<hbm>> -> memref<16x2048xf32, #tpu.memory_space<hbm>>
    tpu.wait_dma2 semaphore(%arg10 : memref<!tpu.dma_semaphore, #tpu.memory_space<semaphore_mem>>) src(%arg6 : memref<16x2048xf32, #tpu.memory_space<vmem>>) dst(%dma_wait3A_25 : memref<16x2048xf32, #tpu.memory_space<hbm>>)
    %dma_start3A_26 = arith.constant 32 : i32
    %dma_start3A_27 = tpu.memref_slice %arg5[%dma_start3A_26] : memref<256xi32, #tpu.memory_space<vmem>> -> memref<16xi32, #tpu.memory_space<vmem>>
    %dma_start3A_28 = arith.constant 0 : i32
    %dma_start3A_29 = arith.constant 0 : i32
    %dma_start3A_30 = tpu.memref_slice %arg2[%dma_start3A_28, %dma_start3A_29] : memref<32000x2048xf32, #tpu.memory_space<hbm>> -> memref<32000x2048xf32, #tpu.memory_space<hbm>>
    tpu.enqueue_indirect_dma source(%dma_start3A_30 : memref<32000x2048xf32, #tpu.memory_space<hbm>>) target(%arg6 : memref<16x2048xf32, #tpu.memory_space<vmem>>) offsets(%dma_start3A_27 : memref<16xi32, #tpu.memory_space<vmem>>) semaphore(%arg8 : memref<!tpu.dma_semaphore, #tpu.memory_space<semaphore_mem>>)
    %dma_wait3A_31 = arith.constant 16 : i32
    %dma_wait3A_32 = tpu.memref_slice %arg5[%dma_wait3A_31] : memref<256xi32, #tpu.memory_space<vmem>> -> memref<16xi32, #tpu.memory_space<vmem>>
    %dma_wait3A_33 = arith.constant 0 : i32
    %dma_wait3A_34 = arith.constant 0 : i32
    %dma_wait3A_35 = tpu.memref_slice %arg2[%dma_wait3A_33, %dma_wait3A_34] : memref<32000x2048xf32, #tpu.memory_space<hbm>> -> memref<32000x2048xf32, #tpu.memory_space<hbm>>
    tpu.wait_indirect_dma semaphore(%arg9 : memref<!tpu.dma_semaphore, #tpu.memory_space<semaphore_mem>>) src(%dma_wait3A_35 : memref<32000x2048xf32, #tpu.memory_space<hbm>>) dst(%arg7 : memref<16x2048xf32, #tpu.memory_space<vmem>>)
    %add3A_36 = arith.constant 16 : i32
    %add3A_37 = arith.addi %mul3A_2, %add3A_36 : i32
    %dma_start3A_38 = arith.constant 0 : i32
    %dma_start3A_39 = tpu.memref_slice %arg4[%add3A_37, %dma_start3A_38] : memref<8192x2048xf32, #tpu.memory_space<hbm>> -> memref<16x2048xf32, #tpu.memory_space<hbm>>
    %dma_start3A_40 = arith.constant 0 : i32
    %dma_start3A_41 = tpu.memref_slice %arg4[%add3A_37, %dma_start3A_40] : memref<8192x2048xf32, #tpu.memory_space<hbm>> -> memref<16x2048xf32, #tpu.memory_space<hbm>>
    tpu.enqueue_dma source(%arg7 : memref<16x2048xf32, #tpu.memory_space<vmem>>) target(%dma_start3A_41 : memref<16x2048xf32, #tpu.memory_space<hbm>>) target_semaphore(%arg11 : memref<!tpu.dma_semaphore, #tpu.memory_space<semaphore_mem>>)
    %dma_wait3A_42 = arith.constant 0 : i32
    %dma_wait3A_43 = tpu.memref_slice %arg4[%add3A_37, %dma_wait3A_42] : memref<8192x2048xf32, #tpu.memory_space<hbm>> -> memref<16x2048xf32, #tpu.memory_space<hbm>>
    %dma_wait3A_44 = arith.constant 0 : i32
    %dma_wait3A_45 = tpu.memref_slice %arg4[%add3A_37, %dma_wait3A_44] : memref<8192x2048xf32, #tpu.memory_space<hbm>> -> memref<16x2048xf32, #tpu.memory_space<hbm>>
    tpu.wait_dma2 semaphore(%arg11 : memref<!tpu.dma_semaphore, #tpu.memory_space<semaphore_mem>>) src(%arg7 : memref<16x2048xf32, #tpu.memory_space<vmem>>) dst(%dma_wait3A_45 : memref<16x2048xf32, #tpu.memory_space<hbm>>)
    %dma_start3A_46 = arith.constant 48 : i32
    %dma_start3A_47 = tpu.memref_slice %arg5[%dma_start3A_46] : memref<256xi32, #tpu.memory_space<vmem>> -> memref<16xi32, #tpu.memory_space<vmem>>
    %dma_start3A_48 = arith.constant 0 : i32
    %dma_start3A_49 = arith.constant 0 : i32
    %dma_start3A_50 = tpu.memref_slice %arg2[%dma_start3A_48, %dma_start3A_49] : memref<32000x2048xf32, #tpu.memory_space<hbm>> -> memref<32000x2048xf32, #tpu.memory_space<hbm>>
    tpu.enqueue_indirect_dma source(%dma_start3A_50 : memref<32000x2048xf32, #tpu.memory_space<hbm>>) target(%arg7 : memref<16x2048xf32, #tpu.memory_space<vmem>>) offsets(%dma_start3A_47 : memref<16xi32, #tpu.memory_space<vmem>>) semaphore(%arg9 : memref<!tpu.dma_semaphore, #tpu.memory_space<semaphore_mem>>)
    %dma_wait3A_51 = arith.constant 32 : i32
    %dma_wait3A_52 = tpu.memref_slice %arg5[%dma_wait3A_51] : memref<256xi32, #tpu.memory_space<vmem>> -> memref<16xi32, #tpu.memory_space<vmem>>
    %dma_wait3A_53 = arith.constant 0 : i32
    %dma_wait3A_54 = arith.constant 0 : i32
    %dma_wait3A_55 = tpu.memref_slice %arg2[%dma_wait3A_53, %dma_wait3A_54] : memref<32000x2048xf32, #tpu.memory_space<hbm>> -> memref<32000x2048xf32, #tpu.memory_space<hbm>>
    tpu.wait_indirect_dma semaphore(%arg8 : memref<!tpu.dma_semaphore, #tpu.memory_space<semaphore_mem>>) src(%dma_wait3A_55 : memref<32000x2048xf32, #tpu.memory_space<hbm>>) dst(%arg6 : memref<16x2048xf32, #tpu.memory_space<vmem>>)
    %add3A_56 = arith.constant 32 : i32
    %add3A_57 = arith.addi %mul3A_2, %add3A_56 : i32
    %dma_start3A_58 = arith.constant 0 : i32
    %dma_start3A_59 = tpu.memref_slice %arg4[%add3A_57, %dma_start3A_58] : memref<8192x2048xf32, #tpu.memory_space<hbm>> -> memref<16x2048xf32, #tpu.memory_space<hbm>>
    %dma_start3A_60 = arith.constant 0 : i32
    %dma_start3A_61 = tpu.memref_slice %arg4[%add3A_57, %dma_start3A_60] : memref<8192x2048xf32, #tpu.memory_space<hbm>> -> memref<16x2048xf32, #tpu.memory_space<hbm>>
    tpu.enqueue_dma source(%arg6 : memref<16x2048xf32, #tpu.memory_space<vmem>>) target(%dma_start3A_61 : memref<16x2048xf32, #tpu.memory_space<hbm>>) target_semaphore(%arg10 : memref<!tpu.dma_semaphore, #tpu.memory_space<semaphore_mem>>)
    %dma_wait3A_62 = arith.constant 0 : i32
    %dma_wait3A_63 = tpu.memref_slice %arg4[%add3A_57, %dma_wait3A_62] : memref<8192x2048xf32, #tpu.memory_space<hbm>> -> memref<16x2048xf32, #tpu.memory_space<hbm>>
    %dma_wait3A_64 = arith.constant 0 : i32
    %dma_wait3A_65 = tpu.memref_slice %arg4[%add3A_57, %dma_wait3A_64] : memref<8192x2048xf32, #tpu.memory_space<hbm>> -> memref<16x2048xf32, #tpu.memory_space<hbm>>
    tpu.wait_dma2 semaphore(%arg10 : memref<!tpu.dma_semaphore, #tpu.memory_space<semaphore_mem>>) src(%arg6 : memref<16x2048xf32, #tpu.memory_space<vmem>>) dst(%dma_wait3A_65 : memref<16x2048xf32, #tpu.memory_space<hbm>>)
    %dma_start3A_66 = arith.constant 64 : i32
    %dma_start3A_67 = tpu.memref_slice %arg5[%dma_start3A_66] : memref<256xi32, #tpu.memory_space<vmem>> -> memref<16xi32, #tpu.memory_space<vmem>>
    %dma_start3A_68 = arith.constant 0 : i32
    %dma_start3A_69 = arith.constant 0 : i32
    %dma_start3A_70 = tpu.memref_slice %arg2[%dma_start3A_68, %dma_start3A_69] : memref<32000x2048xf32, #tpu.memory_space<hbm>> -> memref<32000x2048xf32, #tpu.memory_space<hbm>>
    tpu.enqueue_indirect_dma source(%dma_start3A_70 : memref<32000x2048xf32, #tpu.memory_space<hbm>>) target(%arg6 : memref<16x2048xf32, #tpu.memory_space<vmem>>) offsets(%dma_start3A_67 : memref<16xi32, #tpu.memory_space<vmem>>) semaphore(%arg8 : memref<!tpu.dma_semaphore, #tpu.memory_space<semaphore_mem>>)
    %dma_wait3A_71 = arith.constant 48 : i32
    %dma_wait3A_72 = tpu.memref_slice %arg5[%dma_wait3A_71] : memref<256xi32, #tpu.memory_space<vmem>> -> memref<16xi32, #tpu.memory_space<vmem>>
    %dma_wait3A_73 = arith.constant 0 : i32
    %dma_wait3A_74 = arith.constant 0 : i32
    %dma_wait3A_75 = tpu.memref_slice %arg2[%dma_wait3A_73, %dma_wait3A_74] : memref<32000x2048xf32, #tpu.memory_space<hbm>> -> memref<32000x2048xf32, #tpu.memory_space<hbm>>
    tpu.wait_indirect_dma semaphore(%arg9 : memref<!tpu.dma_semaphore, #tpu.memory_space<semaphore_mem>>) src(%dma_wait3A_75 : memref<32000x2048xf32, #tpu.memory_space<hbm>>) dst(%arg7 : memref<16x2048xf32, #tpu.memory_space<vmem>>)
    %add3A_76 = arith.constant 48 : i32
    %add3A_77 = arith.addi %mul3A_2, %add3A_76 : i32
    %dma_start3A_78 = arith.constant 0 : i32
    %dma_start3A_79 = tpu.memref_slice %arg4[%add3A_77, %dma_start3A_78] : memref<8192x2048xf32, #tpu.memory_space<hbm>> -> memref<16x2048xf32, #tpu.memory_space<hbm>>
    %dma_start3A_80 = arith.constant 0 : i32
    %dma_start3A_81 = tpu.memref_slice %arg4[%add3A_77, %dma_start3A_80] : memref<8192x2048xf32, #tpu.memory_space<hbm>> -> memref<16x2048xf32, #tpu.memory_space<hbm>>
    tpu.enqueue_dma source(%arg7 : memref<16x2048xf32, #tpu.memory_space<vmem>>) target(%dma_start3A_81 : memref<16x2048xf32, #tpu.memory_space<hbm>>) target_semaphore(%arg11 : memref<!tpu.dma_semaphore, #tpu.memory_space<semaphore_mem>>)
    %dma_wait3A_82 = arith.constant 0 : i32
    %dma_wait3A_83 = tpu.memref_slice %arg4[%add3A_77, %dma_wait3A_82] : memref<8192x2048xf32, #tpu.memory_space<hbm>> -> memref<16x2048xf32, #tpu.memory_space<hbm>>
    %dma_wait3A_84 = arith.constant 0 : i32
    %dma_wait3A_85 = tpu.memref_slice %arg4[%add3A_77, %dma_wait3A_84] : memref<8192x2048xf32, #tpu.memory_space<hbm>> -> memref<16x2048xf32, #tpu.memory_space<hbm>>
    tpu.wait_dma2 semaphore(%arg11 : memref<!tpu.dma_semaphore, #tpu.memory_space<semaphore_mem>>) src(%arg7 : memref<16x2048xf32, #tpu.memory_space<vmem>>) dst(%dma_wait3A_85 : memref<16x2048xf32, #tpu.memory_space<hbm>>)
    %dma_start3A_86 = arith.constant 80 : i32
    %dma_start3A_87 = tpu.memref_slice %arg5[%dma_start3A_86] : memref<256xi32, #tpu.memory_space<vmem>> -> memref<16xi32, #tpu.memory_space<vmem>>
    %dma_start3A_88 = arith.constant 0 : i32
    %dma_start3A_89 = arith.constant 0 : i32
    %dma_start3A_90 = tpu.memref_slice %arg2[%dma_start3A_88, %dma_start3A_89] : memref<32000x2048xf32, #tpu.memory_space<hbm>> -> memref<32000x2048xf32, #tpu.memory_space<hbm>>
    tpu.enqueue_indirect_dma source(%dma_start3A_90 : memref<32000x2048xf32, #tpu.memory_space<hbm>>) target(%arg7 : memref<16x2048xf32, #tpu.memory_space<vmem>>) offsets(%dma_start3A_87 : memref<16xi32, #tpu.memory_space<vmem>>) semaphore(%arg9 : memref<!tpu.dma_semaphore, #tpu.memory_space<semaphore_mem>>)
    %dma_wait3A_91 = arith.constant 64 : i32
    %dma_wait3A_92 = tpu.memref_slice %arg5[%dma_wait3A_91] : memref<256xi32, #tpu.memory_space<vmem>> -> memref<16xi32, #tpu.memory_space<vmem>>
    %dma_wait3A_93 = arith.constant 0 : i32
    %dma_wait3A_94 = arith.constant 0 : i32
    %dma_wait3A_95 = tpu.memref_slice %arg2[%dma_wait3A_93, %dma_wait3A_94] : memref<32000x2048xf32, #tpu.memory_space<hbm>> -> memref<32000x2048xf32, #tpu.memory_space<hbm>>
    tpu.wait_indirect_dma semaphore(%arg8 : memref<!tpu.dma_semaphore, #tpu.memory_space<semaphore_mem>>) src(%dma_wait3A_95 : memref<32000x2048xf32, #tpu.memory_space<hbm>>) dst(%arg6 : memref<16x2048xf32, #tpu.memory_space<vmem>>)
    %add3A_96 = arith.constant 64 : i32
    %add3A_97 = arith.addi %mul3A_2, %add3A_96 : i32
    %dma_start3A_98 = arith.constant 0 : i32
    %dma_start3A_99 = tpu.memref_slice %arg4[%add3A_97, %dma_start3A_98] : memref<8192x2048xf32, #tpu.memory_space<hbm>> -> memref<16x2048xf32, #tpu.memory_space<hbm>>
    %dma_start3A_100 = arith.constant 0 : i32
    %dma_start3A_101 = tpu.memref_slice %arg4[%add3A_97, %dma_start3A_100] : memref<8192x2048xf32, #tpu.memory_space<hbm>> -> memref<16x2048xf32, #tpu.memory_space<hbm>>
    tpu.enqueue_dma source(%arg6 : memref<16x2048xf32, #tpu.memory_space<vmem>>) target(%dma_start3A_101 : memref<16x2048xf32, #tpu.memory_space<hbm>>) target_semaphore(%arg10 : memref<!tpu.dma_semaphore, #tpu.memory_space<semaphore_mem>>)
    %dma_wait3A_102 = arith.constant 0 : i32
    %dma_wait3A_103 = tpu.memref_slice %arg4[%add3A_97, %dma_wait3A_102] : memref<8192x2048xf32, #tpu.memory_space<hbm>> -> memref<16x2048xf32, #tpu.memory_space<hbm>>
    %dma_wait3A_104 = arith.constant 0 : i32
    %dma_wait3A_105 = tpu.memref_slice %arg4[%add3A_97, %dma_wait3A_104] : memref<8192x2048xf32, #tpu.memory_space<hbm>> -> memref<16x2048xf32, #tpu.memory_space<hbm>>
    tpu.wait_dma2 semaphore(%arg10 : memref<!tpu.dma_semaphore, #tpu.memory_space<semaphore_mem>>) src(%arg6 : memref<16x2048xf32, #tpu.memory_space<vmem>>) dst(%dma_wait3A_105 : memref<16x2048xf32, #tpu.memory_space<hbm>>)
    %dma_start3A_106 = arith.constant 96 : i32
    %dma_start3A_107 = tpu.memref_slice %arg5[%dma_start3A_106] : memref<256xi32, #tpu.memory_space<vmem>> -> memref<16xi32, #tpu.memory_space<vmem>>
    %dma_start3A_108 = arith.constant 0 : i32
    %dma_start3A_109 = arith.constant 0 : i32
    %dma_start3A_110 = tpu.memref_slice %arg2[%dma_start3A_108, %dma_start3A_109] : memref<32000x2048xf32, #tpu.memory_space<hbm>> -> memref<32000x2048xf32, #tpu.memory_space<hbm>>
    tpu.enqueue_indirect_dma source(%dma_start3A_110 : memref<32000x2048xf32, #tpu.memory_space<hbm>>) target(%arg6 : memref<16x2048xf32, #tpu.memory_space<vmem>>) offsets(%dma_start3A_107 : memref<16xi32, #tpu.memory_space<vmem>>) semaphore(%arg8 : memref<!tpu.dma_semaphore, #tpu.memory_space<semaphore_mem>>)
    %dma_wait3A_111 = arith.constant 80 : i32
    %dma_wait3A_112 = tpu.memref_slice %arg5[%dma_wait3A_111] : memref<256xi32, #tpu.memory_space<vmem>> -> memref<16xi32, #tpu.memory_space<vmem>>
    %dma_wait3A_113 = arith.constant 0 : i32
    %dma_wait3A_114 = arith.constant 0 : i32
    %dma_wait3A_115 = tpu.memref_slice %arg2[%dma_wait3A_113, %dma_wait3A_114] : memref<32000x2048xf32, #tpu.memory_space<hbm>> -> memref<32000x2048xf32, #tpu.memory_space<hbm>>
    tpu.wait_indirect_dma semaphore(%arg9 : memref<!tpu.dma_semaphore, #tpu.memory_space<semaphore_mem>>) src(%dma_wait3A_115 : memref<32000x2048xf32, #tpu.memory_space<hbm>>) dst(%arg7 : memref<16x2048xf32, #tpu.memory_space<vmem>>)
    %add3A_116 = arith.constant 80 : i32
    %add3A_117 = arith.addi %mul3A_2, %add3A_116 : i32
    %dma_start3A_118 = arith.constant 0 : i32
    %dma_start3A_119 = tpu.memref_slice %arg4[%add3A_117, %dma_start3A_118] : memref<8192x2048xf32, #tpu.memory_space<hbm>> -> memref<16x2048xf32, #tpu.memory_space<hbm>>
    %dma_start3A_120 = arith.constant 0 : i32
    %dma_start3A_121 = tpu.memref_slice %arg4[%add3A_117, %dma_start3A_120] : memref<8192x2048xf32, #tpu.memory_space<hbm>> -> memref<16x2048xf32, #tpu.memory_space<hbm>>
    tpu.enqueue_dma source(%arg7 : memref<16x2048xf32, #tpu.memory_space<vmem>>) target(%dma_start3A_121 : memref<16x2048xf32, #tpu.memory_space<hbm>>) target_semaphore(%arg11 : memref<!tpu.dma_semaphore, #tpu.memory_space<semaphore_mem>>)
    %dma_wait3A_122 = arith.constant 0 : i32
    %dma_wait3A_123 = tpu.memref_slice %arg4[%add3A_117, %dma_wait3A_122] : memref<8192x2048xf32, #tpu.memory_space<hbm>> -> memref<16x2048xf32, #tpu.memory_space<hbm>>
    %dma_wait3A_124 = arith.constant 0 : i32
    %dma_wait3A_125 = tpu.memref_slice %arg4[%add3A_117, %dma_wait3A_124] : memref<8192x2048xf32, #tpu.memory_space<hbm>> -> memref<16x2048xf32, #tpu.memory_space<hbm>>
    tpu.wait_dma2 semaphore(%arg11 : memref<!tpu.dma_semaphore, #tpu.memory_space<semaphore_mem>>) src(%arg7 : memref<16x2048xf32, #tpu.memory_space<vmem>>) dst(%dma_wait3A_125 : memref<16x2048xf32, #tpu.memory_space<hbm>>)
    %dma_start3A_126 = arith.constant 112 : i32
    %dma_start3A_127 = tpu.memref_slice %arg5[%dma_start3A_126] : memref<256xi32, #tpu.memory_space<vmem>> -> memref<16xi32, #tpu.memory_space<vmem>>
    %dma_start3A_128 = arith.constant 0 : i32
    %dma_start3A_129 = arith.constant 0 : i32
    %dma_start3A_130 = tpu.memref_slice %arg2[%dma_start3A_128, %dma_start3A_129] : memref<32000x2048xf32, #tpu.memory_space<hbm>> -> memref<32000x2048xf32, #tpu.memory_space<hbm>>
    tpu.enqueue_indirect_dma source(%dma_start3A_130 : memref<32000x2048xf32, #tpu.memory_space<hbm>>) target(%arg7 : memref<16x2048xf32, #tpu.memory_space<vmem>>) offsets(%dma_start3A_127 : memref<16xi32, #tpu.memory_space<vmem>>) semaphore(%arg9 : memref<!tpu.dma_semaphore, #tpu.memory_space<semaphore_mem>>)
    %dma_wait3A_131 = arith.constant 96 : i32
    %dma_wait3A_132 = tpu.memref_slice %arg5[%dma_wait3A_131] : memref<256xi32, #tpu.memory_space<vmem>> -> memref<16xi32, #tpu.memory_space<vmem>>
    %dma_wait3A_133 = arith.constant 0 : i32
    %dma_wait3A_134 = arith.constant 0 : i32
    %dma_wait3A_135 = tpu.memref_slice %arg2[%dma_wait3A_133, %dma_wait3A_134] : memref<32000x2048xf32, #tpu.memory_space<hbm>> -> memref<32000x2048xf32, #tpu.memory_space<hbm>>
    tpu.wait_indirect_dma semaphore(%arg8 : memref<!tpu.dma_semaphore, #tpu.memory_space<semaphore_mem>>) src(%dma_wait3A_135 : memref<32000x2048xf32, #tpu.memory_space<hbm>>) dst(%arg6 : memref<16x2048xf32, #tpu.memory_space<vmem>>)
    %add3A_136 = arith.constant 96 : i32
    %add3A_137 = arith.addi %mul3A_2, %add3A_136 : i32
    %dma_start3A_138 = arith.constant 0 : i32
    %dma_start3A_139 = tpu.memref_slice %arg4[%add3A_137, %dma_start3A_138] : memref<8192x2048xf32, #tpu.memory_space<hbm>> -> memref<16x2048xf32, #tpu.memory_space<hbm>>
    %dma_start3A_140 = arith.constant 0 : i32
    %dma_start3A_141 = tpu.memref_slice %arg4[%add3A_137, %dma_start3A_140] : memref<8192x2048xf32, #tpu.memory_space<hbm>> -> memref<16x2048xf32, #tpu.memory_space<hbm>>
    tpu.enqueue_dma source(%arg6 : memref<16x2048xf32, #tpu.memory_space<vmem>>) target(%dma_start3A_141 : memref<16x2048xf32, #tpu.memory_space<hbm>>) target_semaphore(%arg10 : memref<!tpu.dma_semaphore, #tpu.memory_space<semaphore_mem>>)
    %dma_wait3A_142 = arith.constant 0 : i32
    %dma_wait3A_143 = tpu.memref_slice %arg4[%add3A_137, %dma_wait3A_142] : memref<8192x2048xf32, #tpu.memory_space<hbm>> -> memref<16x2048xf32, #tpu.memory_space<hbm>>
    %dma_wait3A_144 = arith.constant 0 : i32
    %dma_wait3A_145 = tpu.memref_slice %arg4[%add3A_137, %dma_wait3A_144] : memref<8192x2048xf32, #tpu.memory_space<hbm>> -> memref<16x2048xf32, #tpu.memory_space<hbm>>
    tpu.wait_dma2 semaphore(%arg10 : memref<!tpu.dma_semaphore, #tpu.memory_space<semaphore_mem>>) src(%arg6 : memref<16x2048xf32, #tpu.memory_space<vmem>>) dst(%dma_wait3A_145 : memref<16x2048xf32, #tpu.memory_space<hbm>>)
    %dma_start3A_146 = arith.constant 128 : i32
    %dma_start3A_147 = tpu.memref_slice %arg5[%dma_start3A_146] : memref<256xi32, #tpu.memory_space<vmem>> -> memref<16xi32, #tpu.memory_space<vmem>>
    %dma_start3A_148 = arith.constant 0 : i32
    %dma_start3A_149 = arith.constant 0 : i32
    %dma_start3A_150 = tpu.memref_slice %arg2[%dma_start3A_148, %dma_start3A_149] : memref<32000x2048xf32, #tpu.memory_space<hbm>> -> memref<32000x2048xf32, #tpu.memory_space<hbm>>
    tpu.enqueue_indirect_dma source(%dma_start3A_150 : memref<32000x2048xf32, #tpu.memory_space<hbm>>) target(%arg6 : memref<16x2048xf32, #tpu.memory_space<vmem>>) offsets(%dma_start3A_147 : memref<16xi32, #tpu.memory_space<vmem>>) semaphore(%arg8 : memref<!tpu.dma_semaphore, #tpu.memory_space<semaphore_mem>>)
    %dma_wait3A_151 = arith.constant 112 : i32
    %dma_wait3A_152 = tpu.memref_slice %arg5[%dma_wait3A_151] : memref<256xi32, #tpu.memory_space<vmem>> -> memref<16xi32, #tpu.memory_space<vmem>>
    %dma_wait3A_153 = arith.constant 0 : i32
    %dma_wait3A_154 = arith.constant 0 : i32
    %dma_wait3A_155 = tpu.memref_slice %arg2[%dma_wait3A_153, %dma_wait3A_154] : memref<32000x2048xf32, #tpu.memory_space<hbm>> -> memref<32000x2048xf32, #tpu.memory_space<hbm>>
    tpu.wait_indirect_dma semaphore(%arg9 : memref<!tpu.dma_semaphore, #tpu.memory_space<semaphore_mem>>) src(%dma_wait3A_155 : memref<32000x2048xf32, #tpu.memory_space<hbm>>) dst(%arg7 : memref<16x2048xf32, #tpu.memory_space<vmem>>)
    %add3A_156 = arith.constant 112 : i32
    %add3A_157 = arith.addi %mul3A_2, %add3A_156 : i32
    %dma_start3A_158 = arith.constant 0 : i32
    %dma_start3A_159 = tpu.memref_slice %arg4[%add3A_157, %dma_start3A_158] : memref<8192x2048xf32, #tpu.memory_space<hbm>> -> memref<16x2048xf32, #tpu.memory_space<hbm>>
    %dma_start3A_160 = arith.constant 0 : i32
    %dma_start3A_161 = tpu.memref_slice %arg4[%add3A_157, %dma_start3A_160] : memref<8192x2048xf32, #tpu.memory_space<hbm>> -> memref<16x2048xf32, #tpu.memory_space<hbm>>
    tpu.enqueue_dma source(%arg7 : memref<16x2048xf32, #tpu.memory_space<vmem>>) target(%dma_start3A_161 : memref<16x2048xf32, #tpu.memory_space<hbm>>) target_semaphore(%arg11 : memref<!tpu.dma_semaphore, #tpu.memory_space<semaphore_mem>>)
    %dma_wait3A_162 = arith.constant 0 : i32
    %dma_wait3A_163 = tpu.memref_slice %arg4[%add3A_157, %dma_wait3A_162] : memref<8192x2048xf32, #tpu.memory_space<hbm>> -> memref<16x2048xf32, #tpu.memory_space<hbm>>
    %dma_wait3A_164 = arith.constant 0 : i32
    %dma_wait3A_165 = tpu.memref_slice %arg4[%add3A_157, %dma_wait3A_164] : memref<8192x2048xf32, #tpu.memory_space<hbm>> -> memref<16x2048xf32, #tpu.memory_space<hbm>>
    tpu.wait_dma2 semaphore(%arg11 : memref<!tpu.dma_semaphore, #tpu.memory_space<semaphore_mem>>) src(%arg7 : memref<16x2048xf32, #tpu.memory_space<vmem>>) dst(%dma_wait3A_165 : memref<16x2048xf32, #tpu.memory_space<hbm>>)
    %dma_start3A_166 = arith.constant 144 : i32
    %dma_start3A_167 = tpu.memref_slice %arg5[%dma_start3A_166] : memref<256xi32, #tpu.memory_space<vmem>> -> memref<16xi32, #tpu.memory_space<vmem>>
    %dma_start3A_168 = arith.constant 0 : i32
    %dma_start3A_169 = arith.constant 0 : i32
    %dma_start3A_170 = tpu.memref_slice %arg2[%dma_start3A_168, %dma_start3A_169] : memref<32000x2048xf32, #tpu.memory_space<hbm>> -> memref<32000x2048xf32, #tpu.memory_space<hbm>>
    tpu.enqueue_indirect_dma source(%dma_start3A_170 : memref<32000x2048xf32, #tpu.memory_space<hbm>>) target(%arg7 : memref<16x2048xf32, #tpu.memory_space<vmem>>) offsets(%dma_start3A_167 : memref<16xi32, #tpu.memory_space<vmem>>) semaphore(%arg9 : memref<!tpu.dma_semaphore, #tpu.memory_space<semaphore_mem>>)
    %dma_wait3A_171 = arith.constant 128 : i32
    %dma_wait3A_172 = tpu.memref_slice %arg5[%dma_wait3A_171] : memref<256xi32, #tpu.memory_space<vmem>> -> memref<16xi32, #tpu.memory_space<vmem>>
    %dma_wait3A_173 = arith.constant 0 : i32
    %dma_wait3A_174 = arith.constant 0 : i32
    %dma_wait3A_175 = tpu.memref_slice %arg2[%dma_wait3A_173, %dma_wait3A_174] : memref<32000x2048xf32, #tpu.memory_space<hbm>> -> memref<32000x2048xf32, #tpu.memory_space<hbm>>
    tpu.wait_indirect_dma semaphore(%arg8 : memref<!tpu.dma_semaphore, #tpu.memory_space<semaphore_mem>>) src(%dma_wait3A_175 : memref<32000x2048xf32, #tpu.memory_space<hbm>>) dst(%arg6 : memref<16x2048xf32, #tpu.memory_space<vmem>>)
    %add3A_176 = arith.constant 128 : i32
    %add3A_177 = arith.addi %mul3A_2, %add3A_176 : i32
    %dma_start3A_178 = arith.constant 0 : i32
    %dma_start3A_179 = tpu.memref_slice %arg4[%add3A_177, %dma_start3A_178] : memref<8192x2048xf32, #tpu.memory_space<hbm>> -> memref<16x2048xf32, #tpu.memory_space<hbm>>
    %dma_start3A_180 = arith.constant 0 : i32
    %dma_start3A_181 = tpu.memref_slice %arg4[%add3A_177, %dma_start3A_180] : memref<8192x2048xf32, #tpu.memory_space<hbm>> -> memref<16x2048xf32, #tpu.memory_space<hbm>>
    tpu.enqueue_dma source(%arg6 : memref<16x2048xf32, #tpu.memory_space<vmem>>) target(%dma_start3A_181 : memref<16x2048xf32, #tpu.memory_space<hbm>>) target_semaphore(%arg10 : memref<!tpu.dma_semaphore, #tpu.memory_space<semaphore_mem>>)
    %dma_wait3A_182 = arith.constant 0 : i32
    %dma_wait3A_183 = tpu.memref_slice %arg4[%add3A_177, %dma_wait3A_182] : memref<8192x2048xf32, #tpu.memory_space<hbm>> -> memref<16x2048xf32, #tpu.memory_space<hbm>>
    %dma_wait3A_184 = arith.constant 0 : i32
    %dma_wait3A_185 = tpu.memref_slice %arg4[%add3A_177, %dma_wait3A_184] : memref<8192x2048xf32, #tpu.memory_space<hbm>> -> memref<16x2048xf32, #tpu.memory_space<hbm>>
    tpu.wait_dma2 semaphore(%arg10 : memref<!tpu.dma_semaphore, #tpu.memory_space<semaphore_mem>>) src(%arg6 : memref<16x2048xf32, #tpu.memory_space<vmem>>) dst(%dma_wait3A_185 : memref<16x2048xf32, #tpu.memory_space<hbm>>)
    %dma_start3A_186 = arith.constant 160 : i32
    %dma_start3A_187 = tpu.memref_slice %arg5[%dma_start3A_186] : memref<256xi32, #tpu.memory_space<vmem>> -> memref<16xi32, #tpu.memory_space<vmem>>
    %dma_start3A_188 = arith.constant 0 : i32
    %dma_start3A_189 = arith.constant 0 : i32
    %dma_start3A_190 = tpu.memref_slice %arg2[%dma_start3A_188, %dma_start3A_189] : memref<32000x2048xf32, #tpu.memory_space<hbm>> -> memref<32000x2048xf32, #tpu.memory_space<hbm>>
    tpu.enqueue_indirect_dma source(%dma_start3A_190 : memref<32000x2048xf32, #tpu.memory_space<hbm>>) target(%arg6 : memref<16x2048xf32, #tpu.memory_space<vmem>>) offsets(%dma_start3A_187 : memref<16xi32, #tpu.memory_space<vmem>>) semaphore(%arg8 : memref<!tpu.dma_semaphore, #tpu.memory_space<semaphore_mem>>)
    %dma_wait3A_191 = arith.constant 144 : i32
    %dma_wait3A_192 = tpu.memref_slice %arg5[%dma_wait3A_191] : memref<256xi32, #tpu.memory_space<vmem>> -> memref<16xi32, #tpu.memory_space<vmem>>
    %dma_wait3A_193 = arith.constant 0 : i32
    %dma_wait3A_194 = arith.constant 0 : i32
    %dma_wait3A_195 = tpu.memref_slice %arg2[%dma_wait3A_193, %dma_wait3A_194] : memref<32000x2048xf32, #tpu.memory_space<hbm>> -> memref<32000x2048xf32, #tpu.memory_space<hbm>>
    tpu.wait_indirect_dma semaphore(%arg9 : memref<!tpu.dma_semaphore, #tpu.memory_space<semaphore_mem>>) src(%dma_wait3A_195 : memref<32000x2048xf32, #tpu.memory_space<hbm>>) dst(%arg7 : memref<16x2048xf32, #tpu.memory_space<vmem>>)
    %add3A_196 = arith.constant 144 : i32
    %add3A_197 = arith.addi %mul3A_2, %add3A_196 : i32
    %dma_start3A_198 = arith.constant 0 : i32
    %dma_start3A_199 = tpu.memref_slice %arg4[%add3A_197, %dma_start3A_198] : memref<8192x2048xf32, #tpu.memory_space<hbm>> -> memref<16x2048xf32, #tpu.memory_space<hbm>>
    %dma_start3A_200 = arith.constant 0 : i32
    %dma_start3A_201 = tpu.memref_slice %arg4[%add3A_197, %dma_start3A_200] : memref<8192x2048xf32, #tpu.memory_space<hbm>> -> memref<16x2048xf32, #tpu.memory_space<hbm>>
    tpu.enqueue_dma source(%arg7 : memref<16x2048xf32, #tpu.memory_space<vmem>>) target(%dma_start3A_201 : memref<16x2048xf32, #tpu.memory_space<hbm>>) target_semaphore(%arg11 : memref<!tpu.dma_semaphore, #tpu.memory_space<semaphore_mem>>)
    %dma_wait3A_202 = arith.constant 0 : i32
    %dma_wait3A_203 = tpu.memref_slice %arg4[%add3A_197, %dma_wait3A_202] : memref<8192x2048xf32, #tpu.memory_space<hbm>> -> memref<16x2048xf32, #tpu.memory_space<hbm>>
    %dma_wait3A_204 = arith.constant 0 : i32
    %dma_wait3A_205 = tpu.memref_slice %arg4[%add3A_197, %dma_wait3A_204] : memref<8192x2048xf32, #tpu.memory_space<hbm>> -> memref<16x2048xf32, #tpu.memory_space<hbm>>
    tpu.wait_dma2 semaphore(%arg11 : memref<!tpu.dma_semaphore, #tpu.memory_space<semaphore_mem>>) src(%arg7 : memref<16x2048xf32, #tpu.memory_space<vmem>>) dst(%dma_wait3A_205 : memref<16x2048xf32, #tpu.memory_space<hbm>>)
    %dma_start3A_206 = arith.constant 176 : i32
    %dma_start3A_207 = tpu.memref_slice %arg5[%dma_start3A_206] : memref<256xi32, #tpu.memory_space<vmem>> -> memref<16xi32, #tpu.memory_space<vmem>>
    %dma_start3A_208 = arith.constant 0 : i32
    %dma_start3A_209 = arith.constant 0 : i32
    %dma_start3A_210 = tpu.memref_slice %arg2[%dma_start3A_208, %dma_start3A_209] : memref<32000x2048xf32, #tpu.memory_space<hbm>> -> memref<32000x2048xf32, #tpu.memory_space<hbm>>
    tpu.enqueue_indirect_dma source(%dma_start3A_210 : memref<32000x2048xf32, #tpu.memory_space<hbm>>) target(%arg7 : memref<16x2048xf32, #tpu.memory_space<vmem>>) offsets(%dma_start3A_207 : memref<16xi32, #tpu.memory_space<vmem>>) semaphore(%arg9 : memref<!tpu.dma_semaphore, #tpu.memory_space<semaphore_mem>>)
    %dma_wait3A_211 = arith.constant 160 : i32
    %dma_wait3A_212 = tpu.memref_slice %arg5[%dma_wait3A_211] : memref<256xi32, #tpu.memory_space<vmem>> -> memref<16xi32, #tpu.memory_space<vmem>>
    %dma_wait3A_213 = arith.constant 0 : i32
    %dma_wait3A_214 = arith.constant 0 : i32
    %dma_wait3A_215 = tpu.memref_slice %arg2[%dma_wait3A_213, %dma_wait3A_214] : memref<32000x2048xf32, #tpu.memory_space<hbm>> -> memref<32000x2048xf32, #tpu.memory_space<hbm>>
    tpu.wait_indirect_dma semaphore(%arg8 : memref<!tpu.dma_semaphore, #tpu.memory_space<semaphore_mem>>) src(%dma_wait3A_215 : memref<32000x2048xf32, #tpu.memory_space<hbm>>) dst(%arg6 : memref<16x2048xf32, #tpu.memory_space<vmem>>)
    %add3A_216 = arith.constant 160 : i32
    %add3A_217 = arith.addi %mul3A_2, %add3A_216 : i32
    %dma_start3A_218 = arith.constant 0 : i32
    %dma_start3A_219 = tpu.memref_slice %arg4[%add3A_217, %dma_start3A_218] : memref<8192x2048xf32, #tpu.memory_space<hbm>> -> memref<16x2048xf32, #tpu.memory_space<hbm>>
    %dma_start3A_220 = arith.constant 0 : i32
    %dma_start3A_221 = tpu.memref_slice %arg4[%add3A_217, %dma_start3A_220] : memref<8192x2048xf32, #tpu.memory_space<hbm>> -> memref<16x2048xf32, #tpu.memory_space<hbm>>
    tpu.enqueue_dma source(%arg6 : memref<16x2048xf32, #tpu.memory_space<vmem>>) target(%dma_start3A_221 : memref<16x2048xf32, #tpu.memory_space<hbm>>) target_semaphore(%arg10 : memref<!tpu.dma_semaphore, #tpu.memory_space<semaphore_mem>>)
    %dma_wait3A_222 = arith.constant 0 : i32
    %dma_wait3A_223 = tpu.memref_slice %arg4[%add3A_217, %dma_wait3A_222] : memref<8192x2048xf32, #tpu.memory_space<hbm>> -> memref<16x2048xf32, #tpu.memory_space<hbm>>
    %dma_wait3A_224 = arith.constant 0 : i32
    %dma_wait3A_225 = tpu.memref_slice %arg4[%add3A_217, %dma_wait3A_224] : memref<8192x2048xf32, #tpu.memory_space<hbm>> -> memref<16x2048xf32, #tpu.memory_space<hbm>>
    tpu.wait_dma2 semaphore(%arg10 : memref<!tpu.dma_semaphore, #tpu.memory_space<semaphore_mem>>) src(%arg6 : memref<16x2048xf32, #tpu.memory_space<vmem>>) dst(%dma_wait3A_225 : memref<16x2048xf32, #tpu.memory_space<hbm>>)
    %dma_start3A_226 = arith.constant 192 : i32
    %dma_start3A_227 = tpu.memref_slice %arg5[%dma_start3A_226] : memref<256xi32, #tpu.memory_space<vmem>> -> memref<16xi32, #tpu.memory_space<vmem>>
    %dma_start3A_228 = arith.constant 0 : i32
    %dma_start3A_229 = arith.constant 0 : i32
    %dma_start3A_230 = tpu.memref_slice %arg2[%dma_start3A_228, %dma_start3A_229] : memref<32000x2048xf32, #tpu.memory_space<hbm>> -> memref<32000x2048xf32, #tpu.memory_space<hbm>>
    tpu.enqueue_indirect_dma source(%dma_start3A_230 : memref<32000x2048xf32, #tpu.memory_space<hbm>>) target(%arg6 : memref<16x2048xf32, #tpu.memory_space<vmem>>) offsets(%dma_start3A_227 : memref<16xi32, #tpu.memory_space<vmem>>) semaphore(%arg8 : memref<!tpu.dma_semaphore, #tpu.memory_space<semaphore_mem>>)
    %dma_wait3A_231 = arith.constant 176 : i32
    %dma_wait3A_232 = tpu.memref_slice %arg5[%dma_wait3A_231] : memref<256xi32, #tpu.memory_space<vmem>> -> memref<16xi32, #tpu.memory_space<vmem>>
    %dma_wait3A_233 = arith.constant 0 : i32
    %dma_wait3A_234 = arith.constant 0 : i32
    %dma_wait3A_235 = tpu.memref_slice %arg2[%dma_wait3A_233, %dma_wait3A_234] : memref<32000x2048xf32, #tpu.memory_space<hbm>> -> memref<32000x2048xf32, #tpu.memory_space<hbm>>
    tpu.wait_indirect_dma semaphore(%arg9 : memref<!tpu.dma_semaphore, #tpu.memory_space<semaphore_mem>>) src(%dma_wait3A_235 : memref<32000x2048xf32, #tpu.memory_space<hbm>>) dst(%arg7 : memref<16x2048xf32, #tpu.memory_space<vmem>>)
    %add3A_236 = arith.constant 176 : i32
    %add3A_237 = arith.addi %mul3A_2, %add3A_236 : i32
    %dma_start3A_238 = arith.constant 0 : i32
    %dma_start3A_239 = tpu.memref_slice %arg4[%add3A_237, %dma_start3A_238] : memref<8192x2048xf32, #tpu.memory_space<hbm>> -> memref<16x2048xf32, #tpu.memory_space<hbm>>
    %dma_start3A_240 = arith.constant 0 : i32
    %dma_start3A_241 = tpu.memref_slice %arg4[%add3A_237, %dma_start3A_240] : memref<8192x2048xf32, #tpu.memory_space<hbm>> -> memref<16x2048xf32, #tpu.memory_space<hbm>>
    tpu.enqueue_dma source(%arg7 : memref<16x2048xf32, #tpu.memory_space<vmem>>) target(%dma_start3A_241 : memref<16x2048xf32, #tpu.memory_space<hbm>>) target_semaphore(%arg11 : memref<!tpu.dma_semaphore, #tpu.memory_space<semaphore_mem>>)
    %dma_wait3A_242 = arith.constant 0 : i32
    %dma_wait3A_243 = tpu.memref_slice %arg4[%add3A_237, %dma_wait3A_242] : memref<8192x2048xf32, #tpu.memory_space<hbm>> -> memref<16x2048xf32, #tpu.memory_space<hbm>>
    %dma_wait3A_244 = arith.constant 0 : i32
    %dma_wait3A_245 = tpu.memref_slice %arg4[%add3A_237, %dma_wait3A_244] : memref<8192x2048xf32, #tpu.memory_space<hbm>> -> memref<16x2048xf32, #tpu.memory_space<hbm>>
    tpu.wait_dma2 semaphore(%arg11 : memref<!tpu.dma_semaphore, #tpu.memory_space<semaphore_mem>>) src(%arg7 : memref<16x2048xf32, #tpu.memory_space<vmem>>) dst(%dma_wait3A_245 : memref<16x2048xf32, #tpu.memory_space<hbm>>)
    %dma_start3A_246 = arith.constant 208 : i32
    %dma_start3A_247 = tpu.memref_slice %arg5[%dma_start3A_246] : memref<256xi32, #tpu.memory_space<vmem>> -> memref<16xi32, #tpu.memory_space<vmem>>
    %dma_start3A_248 = arith.constant 0 : i32
    %dma_start3A_249 = arith.constant 0 : i32
    %dma_start3A_250 = tpu.memref_slice %arg2[%dma_start3A_248, %dma_start3A_249] : memref<32000x2048xf32, #tpu.memory_space<hbm>> -> memref<32000x2048xf32, #tpu.memory_space<hbm>>
    tpu.enqueue_indirect_dma source(%dma_start3A_250 : memref<32000x2048xf32, #tpu.memory_space<hbm>>) target(%arg7 : memref<16x2048xf32, #tpu.memory_space<vmem>>) offsets(%dma_start3A_247 : memref<16xi32, #tpu.memory_space<vmem>>) semaphore(%arg9 : memref<!tpu.dma_semaphore, #tpu.memory_space<semaphore_mem>>)
    %dma_wait3A_251 = arith.constant 192 : i32
    %dma_wait3A_252 = tpu.memref_slice %arg5[%dma_wait3A_251] : memref<256xi32, #tpu.memory_space<vmem>> -> memref<16xi32, #tpu.memory_space<vmem>>
    %dma_wait3A_253 = arith.constant 0 : i32
    %dma_wait3A_254 = arith.constant 0 : i32
    %dma_wait3A_255 = tpu.memref_slice %arg2[%dma_wait3A_253, %dma_wait3A_254] : memref<32000x2048xf32, #tpu.memory_space<hbm>> -> memref<32000x2048xf32, #tpu.memory_space<hbm>>
    tpu.wait_indirect_dma semaphore(%arg8 : memref<!tpu.dma_semaphore, #tpu.memory_space<semaphore_mem>>) src(%dma_wait3A_255 : memref<32000x2048xf32, #tpu.memory_space<hbm>>) dst(%arg6 : memref<16x2048xf32, #tpu.memory_space<vmem>>)
    %add3A_256 = arith.constant 192 : i32
    %add3A_257 = arith.addi %mul3A_2, %add3A_256 : i32
    %dma_start3A_258 = arith.constant 0 : i32
    %dma_start3A_259 = tpu.memref_slice %arg4[%add3A_257, %dma_start3A_258] : memref<8192x2048xf32, #tpu.memory_space<hbm>> -> memref<16x2048xf32, #tpu.memory_space<hbm>>
    %dma_start3A_260 = arith.constant 0 : i32
    %dma_start3A_261 = tpu.memref_slice %arg4[%add3A_257, %dma_start3A_260] : memref<8192x2048xf32, #tpu.memory_space<hbm>> -> memref<16x2048xf32, #tpu.memory_space<hbm>>
    tpu.enqueue_dma source(%arg6 : memref<16x2048xf32, #tpu.memory_space<vmem>>) target(%dma_start3A_261 : memref<16x2048xf32, #tpu.memory_space<hbm>>) target_semaphore(%arg10 : memref<!tpu.dma_semaphore, #tpu.memory_space<semaphore_mem>>)
    %dma_wait3A_262 = arith.constant 0 : i32
    %dma_wait3A_263 = tpu.memref_slice %arg4[%add3A_257, %dma_wait3A_262] : memref<8192x2048xf32, #tpu.memory_space<hbm>> -> memref<16x2048xf32, #tpu.memory_space<hbm>>
    %dma_wait3A_264 = arith.constant 0 : i32
    %dma_wait3A_265 = tpu.memref_slice %arg4[%add3A_257, %dma_wait3A_264] : memref<8192x2048xf32, #tpu.memory_space<hbm>> -> memref<16x2048xf32, #tpu.memory_space<hbm>>
    tpu.wait_dma2 semaphore(%arg10 : memref<!tpu.dma_semaphore, #tpu.memory_space<semaphore_mem>>) src(%arg6 : memref<16x2048xf32, #tpu.memory_space<vmem>>) dst(%dma_wait3A_265 : memref<16x2048xf32, #tpu.memory_space<hbm>>)
    %dma_start3A_266 = arith.constant 224 : i32
    %dma_start3A_267 = tpu.memref_slice %arg5[%dma_start3A_266] : memref<256xi32, #tpu.memory_space<vmem>> -> memref<16xi32, #tpu.memory_space<vmem>>
    %dma_start3A_268 = arith.constant 0 : i32
    %dma_start3A_269 = arith.constant 0 : i32
    %dma_start3A_270 = tpu.memref_slice %arg2[%dma_start3A_268, %dma_start3A_269] : memref<32000x2048xf32, #tpu.memory_space<hbm>> -> memref<32000x2048xf32, #tpu.memory_space<hbm>>
    tpu.enqueue_indirect_dma source(%dma_start3A_270 : memref<32000x2048xf32, #tpu.memory_space<hbm>>) target(%arg6 : memref<16x2048xf32, #tpu.memory_space<vmem>>) offsets(%dma_start3A_267 : memref<16xi32, #tpu.memory_space<vmem>>) semaphore(%arg8 : memref<!tpu.dma_semaphore, #tpu.memory_space<semaphore_mem>>)
    %dma_wait3A_271 = arith.constant 208 : i32
    %dma_wait3A_272 = tpu.memref_slice %arg5[%dma_wait3A_271] : memref<256xi32, #tpu.memory_space<vmem>> -> memref<16xi32, #tpu.memory_space<vmem>>
    %dma_wait3A_273 = arith.constant 0 : i32
    %dma_wait3A_274 = arith.constant 0 : i32
    %dma_wait3A_275 = tpu.memref_slice %arg2[%dma_wait3A_273, %dma_wait3A_274] : memref<32000x2048xf32, #tpu.memory_space<hbm>> -> memref<32000x2048xf32, #tpu.memory_space<hbm>>
    tpu.wait_indirect_dma semaphore(%arg9 : memref<!tpu.dma_semaphore, #tpu.memory_space<semaphore_mem>>) src(%dma_wait3A_275 : memref<32000x2048xf32, #tpu.memory_space<hbm>>) dst(%arg7 : memref<16x2048xf32, #tpu.memory_space<vmem>>)
    %add3A_276 = arith.constant 208 : i32
    %add3A_277 = arith.addi %mul3A_2, %add3A_276 : i32
    %dma_start3A_278 = arith.constant 0 : i32
    %dma_start3A_279 = tpu.memref_slice %arg4[%add3A_277, %dma_start3A_278] : memref<8192x2048xf32, #tpu.memory_space<hbm>> -> memref<16x2048xf32, #tpu.memory_space<hbm>>
    %dma_start3A_280 = arith.constant 0 : i32
    %dma_start3A_281 = tpu.memref_slice %arg4[%add3A_277, %dma_start3A_280] : memref<8192x2048xf32, #tpu.memory_space<hbm>> -> memref<16x2048xf32, #tpu.memory_space<hbm>>
    tpu.enqueue_dma source(%arg7 : memref<16x2048xf32, #tpu.memory_space<vmem>>) target(%dma_start3A_281 : memref<16x2048xf32, #tpu.memory_space<hbm>>) target_semaphore(%arg11 : memref<!tpu.dma_semaphore, #tpu.memory_space<semaphore_mem>>)
    %dma_wait3A_282 = arith.constant 0 : i32
    %dma_wait3A_283 = tpu.memref_slice %arg4[%add3A_277, %dma_wait3A_282] : memref<8192x2048xf32, #tpu.memory_space<hbm>> -> memref<16x2048xf32, #tpu.memory_space<hbm>>
    %dma_wait3A_284 = arith.constant 0 : i32
    %dma_wait3A_285 = tpu.memref_slice %arg4[%add3A_277, %dma_wait3A_284] : memref<8192x2048xf32, #tpu.memory_space<hbm>> -> memref<16x2048xf32, #tpu.memory_space<hbm>>
    tpu.wait_dma2 semaphore(%arg11 : memref<!tpu.dma_semaphore, #tpu.memory_space<semaphore_mem>>) src(%arg7 : memref<16x2048xf32, #tpu.memory_space<vmem>>) dst(%dma_wait3A_285 : memref<16x2048xf32, #tpu.memory_space<hbm>>)
    %dma_start3A_286 = arith.constant 240 : i32
    %dma_start3A_287 = tpu.memref_slice %arg5[%dma_start3A_286] : memref<256xi32, #tpu.memory_space<vmem>> -> memref<16xi32, #tpu.memory_space<vmem>>
    %dma_start3A_288 = arith.constant 0 : i32
    %dma_start3A_289 = arith.constant 0 : i32
    %dma_start3A_290 = tpu.memref_slice %arg2[%dma_start3A_288, %dma_start3A_289] : memref<32000x2048xf32, #tpu.memory_space<hbm>> -> memref<32000x2048xf32, #tpu.memory_space<hbm>>
    tpu.enqueue_indirect_dma source(%dma_start3A_290 : memref<32000x2048xf32, #tpu.memory_space<hbm>>) target(%arg7 : memref<16x2048xf32, #tpu.memory_space<vmem>>) offsets(%dma_start3A_287 : memref<16xi32, #tpu.memory_space<vmem>>) semaphore(%arg9 : memref<!tpu.dma_semaphore, #tpu.memory_space<semaphore_mem>>)
    %dma_wait3A_291 = arith.constant 224 : i32
    %dma_wait3A_292 = tpu.memref_slice %arg5[%dma_wait3A_291] : memref<256xi32, #tpu.memory_space<vmem>> -> memref<16xi32, #tpu.memory_space<vmem>>
    %dma_wait3A_293 = arith.constant 0 : i32
    %dma_wait3A_294 = arith.constant 0 : i32
    %dma_wait3A_295 = tpu.memref_slice %arg2[%dma_wait3A_293, %dma_wait3A_294] : memref<32000x2048xf32, #tpu.memory_space<hbm>> -> memref<32000x2048xf32, #tpu.memory_space<hbm>>
    tpu.wait_indirect_dma semaphore(%arg8 : memref<!tpu.dma_semaphore, #tpu.memory_space<semaphore_mem>>) src(%dma_wait3A_295 : memref<32000x2048xf32, #tpu.memory_space<hbm>>) dst(%arg6 : memref<16x2048xf32, #tpu.memory_space<vmem>>)
    %add3A_296 = arith.constant 224 : i32
    %add3A_297 = arith.addi %mul3A_2, %add3A_296 : i32
    %dma_start3A_298 = arith.constant 0 : i32
    %dma_start3A_299 = tpu.memref_slice %arg4[%add3A_297, %dma_start3A_298] : memref<8192x2048xf32, #tpu.memory_space<hbm>> -> memref<16x2048xf32, #tpu.memory_space<hbm>>
    %dma_start3A_300 = arith.constant 0 : i32
    %dma_start3A_301 = tpu.memref_slice %arg4[%add3A_297, %dma_start3A_300] : memref<8192x2048xf32, #tpu.memory_space<hbm>> -> memref<16x2048xf32, #tpu.memory_space<hbm>>
    tpu.enqueue_dma source(%arg6 : memref<16x2048xf32, #tpu.memory_space<vmem>>) target(%dma_start3A_301 : memref<16x2048xf32, #tpu.memory_space<hbm>>) target_semaphore(%arg10 : memref<!tpu.dma_semaphore, #tpu.memory_space<semaphore_mem>>)
    %dma_wait3A_302 = arith.constant 240 : i32
    %dma_wait3A_303 = tpu.memref_slice %arg5[%dma_wait3A_302] : memref<256xi32, #tpu.memory_space<vmem>> -> memref<16xi32, #tpu.memory_space<vmem>>
    %dma_wait3A_304 = arith.constant 0 : i32
    %dma_wait3A_305 = arith.constant 0 : i32
    %dma_wait3A_306 = tpu.memref_slice %arg2[%dma_wait3A_304, %dma_wait3A_305] : memref<32000x2048xf32, #tpu.memory_space<hbm>> -> memref<32000x2048xf32, #tpu.memory_space<hbm>>
    tpu.wait_indirect_dma semaphore(%arg9 : memref<!tpu.dma_semaphore, #tpu.memory_space<semaphore_mem>>) src(%dma_wait3A_306 : memref<32000x2048xf32, #tpu.memory_space<hbm>>) dst(%arg7 : memref<16x2048xf32, #tpu.memory_space<vmem>>)
    %add3A_307 = arith.constant 240 : i32
    %add3A_308 = arith.addi %mul3A_2, %add3A_307 : i32
    %dma_start3A_309 = arith.constant 0 : i32
    %dma_start3A_310 = tpu.memref_slice %arg4[%add3A_308, %dma_start3A_309] : memref<8192x2048xf32, #tpu.memory_space<hbm>> -> memref<16x2048xf32, #tpu.memory_space<hbm>>
    %dma_start3A_311 = arith.constant 0 : i32
    %dma_start3A_312 = tpu.memref_slice %arg4[%add3A_308, %dma_start3A_311] : memref<8192x2048xf32, #tpu.memory_space<hbm>> -> memref<16x2048xf32, #tpu.memory_space<hbm>>
    tpu.enqueue_dma source(%arg7 : memref<16x2048xf32, #tpu.memory_space<vmem>>) target(%dma_start3A_312 : memref<16x2048xf32, #tpu.memory_space<hbm>>) target_semaphore(%arg11 : memref<!tpu.dma_semaphore, #tpu.memory_space<semaphore_mem>>)
    %dma_wait3A_313 = arith.constant 0 : i32
    %dma_wait3A_314 = tpu.memref_slice %arg4[%add3A_297, %dma_wait3A_313] : memref<8192x2048xf32, #tpu.memory_space<hbm>> -> memref<16x2048xf32, #tpu.memory_space<hbm>>
    %dma_wait3A_315 = arith.constant 0 : i32
    %dma_wait3A_316 = tpu.memref_slice %arg4[%add3A_297, %dma_wait3A_315] : memref<8192x2048xf32, #tpu.memory_space<hbm>> -> memref<16x2048xf32, #tpu.memory_space<hbm>>
    tpu.wait_dma2 semaphore(%arg10 : memref<!tpu.dma_semaphore, #tpu.memory_space<semaphore_mem>>) src(%arg6 : memref<16x2048xf32, #tpu.memory_space<vmem>>) dst(%dma_wait3A_316 : memref<16x2048xf32, #tpu.memory_space<hbm>>)
    %dma_wait3A_317 = arith.constant 0 : i32
    %dma_wait3A_318 = tpu.memref_slice %arg4[%add3A_308, %dma_wait3A_317] : memref<8192x2048xf32, #tpu.memory_space<hbm>> -> memref<16x2048xf32, #tpu.memory_space<hbm>>
    %dma_wait3A_319 = arith.constant 0 : i32
    %dma_wait3A_320 = tpu.memref_slice %arg4[%add3A_308, %dma_wait3A_319] : memref<8192x2048xf32, #tpu.memory_space<hbm>> -> memref<16x2048xf32, #tpu.memory_space<hbm>>
    tpu.wait_dma2 semaphore(%arg11 : memref<!tpu.dma_semaphore, #tpu.memory_space<semaphore_mem>>) src(%arg7 : memref<16x2048xf32, #tpu.memory_space<vmem>>) dst(%dma_wait3A_320 : memref<16x2048xf32, #tpu.memory_space<hbm>>)
    return
  }
}

module attributes {stable_mosaic.version = 14 : i64} {
  func.func @_cast_body(%arg0: i32, %arg1: memref<128x8192xf32, #tpu.memory_space<vmem>>, %arg2: memref<512x2048xf32, #tpu.memory_space<vmem>>, %arg3: memref<128x8192xbf16, #tpu.memory_space<vmem>>, %arg4: memref<512x2048xbf16, #tpu.memory_space<vmem>>) attributes {dimension_semantics = [#tpu.dimension_semantics<arbitrary>], iteration_bounds = array<i64: 16>, scalar_prefetch = 0 : i64, scratch_operands = 0 : i64, tpu.core_type = #tpu.core_type<tc>, window_params = [{transform_indices = @transform_0, window_bounds = array<i64: 128, 8192>}, {transform_indices = @transform_1, window_bounds = array<i64: 512, 2048>}, {transform_indices = @transform_2, window_bounds = array<i64: 128, 8192>}, {transform_indices = @transform_3, window_bounds = array<i64: 512, 2048>}]} {
    %get3A = arith.constant 0 : index
    %get3A_0 = arith.constant 0 : index
    %get3A_1 = vector.load %arg1[%get3A, %get3A_0] : memref<128x8192xf32, #tpu.memory_space<vmem>>, vector<128x8192xf32>
    %convert_element_type3A = arith.truncf %get3A_1 : vector<128x8192xf32> to vector<128x8192xbf16>
    %swap3A = arith.constant 0 : index
    %swap3A_2 = arith.constant 0 : index
    %swap3A_3 = vector.load %arg3[%swap3A, %swap3A_2] : memref<128x8192xbf16, #tpu.memory_space<vmem>>, vector<128x8192xbf16>
    tpu.vector_store %arg3[%swap3A, %swap3A_2], %convert_element_type3A {strides = array<i32>} : memref<128x8192xbf16, #tpu.memory_space<vmem>>, vector<128x8192xbf16>,
    %get3A_4 = arith.constant 0 : index
    %get3A_5 = arith.constant 0 : index
    %get3A_6 = vector.load %arg2[%get3A_4, %get3A_5] : memref<512x2048xf32, #tpu.memory_space<vmem>>, vector<512x2048xf32>
    %convert_element_type3A_7 = arith.truncf %get3A_6 : vector<512x2048xf32> to vector<512x2048xbf16>
    %swap3A_8 = arith.constant 0 : index
    %swap3A_9 = arith.constant 0 : index
    %swap3A_10 = vector.load %arg4[%swap3A_8, %swap3A_9] : memref<512x2048xbf16, #tpu.memory_space<vmem>>, vector<512x2048xbf16>
    tpu.vector_store %arg4[%swap3A_8, %swap3A_9], %convert_element_type3A_7 {strides = array<i32>} : memref<512x2048xbf16, #tpu.memory_space<vmem>>, vector<512x2048xbf16>,
    return
  }
  func.func @transform_0(%arg0: i32) -> (i32, i32) {
    %c0_i32 = arith.constant 0 : i32
    %c0_i32_0 = arith.constant 0 : i32
    return %arg0, %c0_i32 : i32, i32
  }
  func.func @transform_1(%arg0: i32) -> (i32, i32) {
    %c0_i32 = arith.constant 0 : i32
    %c0_i32_0 = arith.constant 0 : i32
    return %arg0, %c0_i32 : i32, i32
  }
  func.func @transform_2(%arg0: i32) -> (i32, i32) {
    %c0_i32 = arith.constant 0 : i32
    %c0_i32_0 = arith.constant 0 : i32
    return %arg0, %c0_i32 : i32, i32
  }
  func.func @transform_3(%arg0: i32) -> (i32, i32) {
    %c0_i32 = arith.constant 0 : i32
    %c0_i32_0 = arith.constant 0 : i32
    return %arg0, %c0_i32 : i32, i32
  }
}

module attributes {stable_mosaic.version = 14 : i64} {
  func.func @_ffn_body(%arg0: i32, %arg1: i32, %arg2: memref<1088x2048xf32, #tpu.memory_space<vmem>>, %arg3: memref<2048x512xbf16, #tpu.memory_space<vmem>>, %arg4: memref<512x2048xbf16, #tpu.memory_space<vmem>>, %arg5: memref<1088x2048xf32, #tpu.memory_space<vmem>>, %arg6: memref<1088x2048xbf16, #tpu.memory_space<vmem>>) attributes {dimension_semantics = [#tpu.dimension_semantics<arbitrary>, #tpu.dimension_semantics<arbitrary>], iteration_bounds = array<i64: 2, 16>, scalar_prefetch = 0 : i64, scratch_operands = 1 : i64, tpu.core_type = #tpu.core_type<tc>, window_params = [{transform_indices = @transform_0, window_bounds = array<i64: 1088, 2048>}, {transform_indices = @transform_1, window_bounds = array<i64: 2048, 512>}, {transform_indices = @transform_2, window_bounds = array<i64: 512, 2048>}, {transform_indices = @transform_3, window_bounds = array<i64: 1088, 2048>}]} {
    %eq3A = arith.constant 0 : i32
    %eq3A_0 = arith.cmpi eq, %arg1, %eq3A : i32
    %convert_element_type3A = arith.extui %eq3A_0 : i1 to i32
    %cond3A = arith.constant 0 : i32
    %cond3A_1 = arith.cmpi ne, %convert_element_type3A, %cond3A : i32
    scf.if %cond3A_1 {
      %get3A_21 = arith.constant 0 : index
      %get3A_22 = arith.constant 0 : index
      %get3A_23 = vector.load %arg2[%get3A_21, %get3A_22] : memref<1088x2048xf32, #tpu.memory_space<vmem>>, vector<1088x2048xf32>
      %reduce_sum3A = arith.constant dense<0.000000e+00> : vector<1088xf32>
      %reduce_sum3A_24 = vector.multi_reduction <add>, %get3A_23, %reduce_sum3A [1] : vector<1088x2048xf32> to vector<1088xf32>
      %broadcast_in_dim3A = vector.shape_cast %reduce_sum3A_24 : vector<1088xf32> to vector<1088x1xf32>
      %div3A = arith.constant 2.048000e+03 : f32
      %div3A_25 = vector.broadcast %div3A : f32 to vector<1088x1xf32>
      %div3A_26 = arith.divf %broadcast_in_dim3A, %div3A_25 : vector<1088x1xf32>
      %sub3A = vector.broadcast %div3A_26 : vector<1088x1xf32> to vector<1088x2048xf32>
      %sub3A_27 = arith.subf %get3A_23, %sub3A : vector<1088x2048xf32>
      %integer_pow3A = arith.mulf %sub3A_27, %sub3A_27 : vector<1088x2048xf32>
      %reduce_sum3A_28 = arith.constant dense<0.000000e+00> : vector<1088xf32>
      %reduce_sum3A_29 = vector.multi_reduction <add>, %integer_pow3A, %reduce_sum3A_28 [1] : vector<1088x2048xf32> to vector<1088xf32>
      %broadcast_in_dim3A_30 = vector.shape_cast %reduce_sum3A_29 : vector<1088xf32> to vector<1088x1xf32>
      %div3A_31 = arith.constant 2.048000e+03 : f32
      %div3A_32 = vector.broadcast %div3A_31 : f32 to vector<1088x1xf32>
      %div3A_33 = arith.divf %broadcast_in_dim3A_30, %div3A_32 : vector<1088x1xf32>
      %sub3A_34 = vector.broadcast %div3A_26 : vector<1088x1xf32> to vector<1088x2048xf32>
      %sub3A_35 = arith.subf %get3A_23, %sub3A_34 : vector<1088x2048xf32>
      %add3A_36 = arith.constant 9.99999974E-6 : f32
      %add3A_37 = vector.broadcast %add3A_36 : f32 to vector<1088x1xf32>
      %add3A_38 = arith.addf %div3A_33, %add3A_37 : vector<1088x1xf32>
      %rsqrt3A = math.rsqrt %add3A_38 : vector<1088x1xf32>
      %mul3A = vector.broadcast %rsqrt3A : vector<1088x1xf32> to vector<1088x2048xf32>
      %mul3A_39 = arith.mulf %sub3A_35, %mul3A : vector<1088x2048xf32>
      %convert_element_type3A_40 = arith.truncf %mul3A_39 : vector<1088x2048xf32> to vector<1088x2048xbf16>
      %swap3A_41 = arith.constant 0 : index
      %swap3A_42 = arith.constant 0 : index
      %swap3A_43 = vector.load %arg6[%swap3A_41, %swap3A_42] : memref<1088x2048xbf16, #tpu.memory_space<vmem>>, vector<1088x2048xbf16>
      tpu.vector_store %arg6[%swap3A_41, %swap3A_42], %convert_element_type3A_40 {strides = array<i32>} : memref<1088x2048xbf16, #tpu.memory_space<vmem>>, vector<1088x2048xbf16>,
      %swap3A_44 = arith.constant 0 : index
      %swap3A_45 = arith.constant 0 : index
      %swap3A_46 = vector.load %arg5[%swap3A_44, %swap3A_45] : memref<1088x2048xf32, #tpu.memory_space<vmem>>, vector<1088x2048xf32>
      tpu.vector_store %arg5[%swap3A_44, %swap3A_45], %get3A_23 {strides = array<i32>} : memref<1088x2048xf32, #tpu.memory_space<vmem>>, vector<1088x2048xf32>,
    } else {
    }
    %get3A = arith.constant 0 : index
    %get3A_2 = arith.constant 0 : index
    %get3A_3 = vector.load %arg6[%get3A, %get3A_2] : memref<1088x2048xbf16, #tpu.memory_space<vmem>>, vector<1088x2048xbf16>
    %get3A_4 = arith.constant 0 : index
    %get3A_5 = arith.constant 0 : index
    %get3A_6 = vector.load %arg3[%get3A_4, %get3A_5] : memref<2048x512xbf16, #tpu.memory_space<vmem>>, vector<2048x512xbf16>
    %dot_general3A = arith.constant dense<0.000000e+00> : vector<1088x512xf32>
    %dot_general3A_7 = tpu.matmul %get3A_3, %get3A_6, %dot_general3A {dimension_numbers = #tpu.dot_dimension_numbers<[1], [0], [0], [1], [0, 0, 1, 1], [], []>, transpose_lhs_hint = false} : vector<1088x2048xbf16>, vector<2048x512xbf16>, vector<1088x512xf32> -> vector<1088x512xf32>
    %max3A = arith.constant 0.000000e+00 : f32
    %max3A_8 = vector.broadcast %max3A : f32 to vector<1088x512xf32>
    %max3A_9 = arith.maximumf %dot_general3A_7, %max3A_8 : vector<1088x512xf32>
    %convert_element_type3A_10 = arith.truncf %max3A_9 : vector<1088x512xf32> to vector<1088x512xbf16>
    %get3A_11 = arith.constant 0 : index
    %get3A_12 = arith.constant 0 : index
    %get3A_13 = vector.load %arg5[%get3A_11, %get3A_12] : memref<1088x2048xf32, #tpu.memory_space<vmem>>, vector<1088x2048xf32>
    %get3A_14 = arith.constant 0 : index
    %get3A_15 = arith.constant 0 : index
    %get3A_16 = vector.load %arg4[%get3A_14, %get3A_15] : memref<512x2048xbf16, #tpu.memory_space<vmem>>, vector<512x2048xbf16>
    %dot_general3A_17 = arith.constant dense<0.000000e+00> : vector<1088x2048xf32>
    %dot_general3A_18 = tpu.matmul %convert_element_type3A_10, %get3A_16, %dot_general3A_17 {dimension_numbers = #tpu.dot_dimension_numbers<[1], [0], [0], [1], [0, 0, 1, 1], [], []>, transpose_lhs_hint = false} : vector<1088x512xbf16>, vector<512x2048xbf16>, vector<1088x2048xf32> -> vector<1088x2048xf32>
    %add3A = arith.addf %get3A_13, %dot_general3A_18 : vector<1088x2048xf32>
    %swap3A = arith.constant 0 : index
    %swap3A_19 = arith.constant 0 : index
    %swap3A_20 = vector.load %arg5[%swap3A, %swap3A_19] : memref<1088x2048xf32, #tpu.memory_space<vmem>>, vector<1088x2048xf32>
    tpu.vector_store %arg5[%swap3A, %swap3A_19], %add3A {strides = array<i32>} : memref<1088x2048xf32, #tpu.memory_space<vmem>>, vector<1088x2048xf32>,
    return
  }
  func.func @transform_0(%arg0: i32, %arg1: i32) -> (i32, i32) {
    %add3A = arith.constant 0 : i32
    %add3A_0 = arith.addi %arg0, %add3A : i32
    %c0_i32 = arith.constant 0 : i32
    %c0_i32_1 = arith.constant 0 : i32
    return %add3A_0, %c0_i32 : i32, i32
  }
  func.func @transform_1(%arg0: i32, %arg1: i32) -> (i32, i32) {
    %c0_i32 = arith.constant 0 : i32
    %c0_i32_0 = arith.constant 0 : i32
    return %c0_i32, %arg1 : i32, i32
  }
  func.func @transform_2(%arg0: i32, %arg1: i32) -> (i32, i32) {
    %c0_i32 = arith.constant 0 : i32
    %c0_i32_0 = arith.constant 0 : i32
    return %arg1, %c0_i32 : i32, i32
  }
  func.func @transform_3(%arg0: i32, %arg1: i32) -> (i32, i32) {
    %c0_i32 = arith.constant 0 : i32
    %c0_i32_0 = arith.constant 0 : i32
    return %arg0, %c0_i32 : i32, i32
  }
}

module attributes {stable_mosaic.version = 14 : i64} {
  func.func @_bridge_body(%arg0: i32, %arg1: memref<128x1024xf32, #tpu.memory_space<vmem>>, %arg2: memref<1x1024xf32, #tpu.memory_space<vmem>>, %arg3: memref<1024x2048xf32, #tpu.memory_space<vmem>>, %arg4: memref<1x2048xf32, #tpu.memory_space<vmem>>, %arg5: memref<2048x2048xf32, #tpu.memory_space<vmem>>, %arg6: memref<1x2048xf32, #tpu.memory_space<vmem>>, %arg7: memref<128x2048xf32, #tpu.memory_space<vmem>>) attributes {dimension_semantics = [#tpu.dimension_semantics<arbitrary>], iteration_bounds = array<i64: 17>, scalar_prefetch = 0 : i64, scratch_operands = 0 : i64, tpu.core_type = #tpu.core_type<tc>, window_params = [{transform_indices = @transform_0, window_bounds = array<i64: 128, 1024>}, {pipeline_mode = #tpu.pipeline_mode<synchronous>, transform_indices = @transform_1, window_bounds = array<i64: 1, 1024>}, {pipeline_mode = #tpu.pipeline_mode<synchronous>, transform_indices = @transform_2, window_bounds = array<i64: 1024, 2048>}, {pipeline_mode = #tpu.pipeline_mode<synchronous>, transform_indices = @transform_3, window_bounds = array<i64: 1, 2048>}, {pipeline_mode = #tpu.pipeline_mode<synchronous>, transform_indices = @transform_4, window_bounds = array<i64: 2048, 2048>}, {pipeline_mode = #tpu.pipeline_mode<synchronous>, transform_indices = @transform_5, window_bounds = array<i64: 1, 2048>}, {transform_indices = @transform_6, window_bounds = array<i64: 128, 2048>}]} {
    %get3A = arith.constant 0 : index
    %get3A_0 = arith.constant 0 : index
    %get3A_1 = vector.load %arg1[%get3A, %get3A_0] : memref<128x1024xf32, #tpu.memory_space<vmem>>, vector<128x1024xf32>
    %get3A_2 = arith.constant 0 : index
    %get3A_3 = arith.constant 0 : index
    %get3A_4 = vector.load %arg2[%get3A_2, %get3A_3] : memref<1x1024xf32, #tpu.memory_space<vmem>>, vector<1x1024xf32>
    %broadcast_in_dim3A = vector.shape_cast %get3A_4 : vector<1x1024xf32> to vector<1x1024xf32>
    %broadcast_in_dim3A_5 = vector.broadcast %broadcast_in_dim3A : vector<1x1024xf32> to vector<128x1024xf32>
    %eq3A = arith.constant 16 : i32
    %eq3A_6 = arith.cmpi eq, %arg0, %eq3A : i32
    %select_n3A = arith.select %eq3A_6, %broadcast_in_dim3A_5, %get3A_1 : vector<128x1024xf32>
    %get3A_7 = arith.constant 0 : index
    %get3A_8 = arith.constant 0 : index
    %get3A_9 = vector.load %arg3[%get3A_7, %get3A_8] : memref<1024x2048xf32, #tpu.memory_space<vmem>>, vector<1024x2048xf32>
    %dot_general3A = arith.constant dense<0.000000e+00> : vector<128x2048xf32>
    %dot_general3A_10 = tpu.matmul %select_n3A, %get3A_9, %dot_general3A {dimension_numbers = #tpu.dot_dimension_numbers<[1], [0], [0], [1], [0, 0, 1, 1], [], []>, transpose_lhs_hint = false} : vector<128x1024xf32>, vector<1024x2048xf32>, vector<128x2048xf32> -> vector<128x2048xf32>
    %get3A_11 = arith.constant 0 : index
    %get3A_12 = arith.constant 0 : index
    %get3A_13 = vector.load %arg4[%get3A_11, %get3A_12] : memref<1x2048xf32, #tpu.memory_space<vmem>>, vector<1x2048xf32>
    %add3A = vector.broadcast %get3A_13 : vector<1x2048xf32> to vector<128x2048xf32>
    %add3A_14 = arith.addf %dot_general3A_10, %add3A : vector<128x2048xf32>
    %integer_pow3A = arith.mulf %add3A_14, %add3A_14 : vector<128x2048xf32>
    %integer_pow3A_15 = arith.mulf %add3A_14, %integer_pow3A : vector<128x2048xf32>
    %mul3A = arith.constant 4.471500e-02 : f32
    %mul3A_16 = vector.broadcast %mul3A : f32 to vector<128x2048xf32>
    %mul3A_17 = arith.mulf %mul3A_16, %integer_pow3A_15 : vector<128x2048xf32>
    %add3A_18 = arith.addf %add3A_14, %mul3A_17 : vector<128x2048xf32>
    %mul3A_19 = arith.constant 0.797884583 : f32
    %mul3A_20 = vector.broadcast %mul3A_19 : f32 to vector<128x2048xf32>
    %mul3A_21 = arith.mulf %mul3A_20, %add3A_18 : vector<128x2048xf32>
    %tanh3A = math.tanh %mul3A_21 : vector<128x2048xf32>
    %add3A_22 = arith.constant 1.000000e+00 : f32
    %add3A_23 = vector.broadcast %add3A_22 : f32 to vector<128x2048xf32>
    %add3A_24 = arith.addf %add3A_23, %tanh3A : vector<128x2048xf32>
    %mul3A_25 = arith.constant 5.000000e-01 : f32
    %mul3A_26 = vector.broadcast %mul3A_25 : f32 to vector<128x2048xf32>
    %mul3A_27 = arith.mulf %mul3A_26, %add3A_24 : vector<128x2048xf32>
    %mul3A_28 = arith.mulf %add3A_14, %mul3A_27 : vector<128x2048xf32>
    %get3A_29 = arith.constant 0 : index
    %get3A_30 = arith.constant 0 : index
    %get3A_31 = vector.load %arg5[%get3A_29, %get3A_30] : memref<2048x2048xf32, #tpu.memory_space<vmem>>, vector<2048x2048xf32>
    %dot_general3A_32 = arith.constant dense<0.000000e+00> : vector<128x2048xf32>
    %dot_general3A_33 = tpu.matmul %mul3A_28, %get3A_31, %dot_general3A_32 {dimension_numbers = #tpu.dot_dimension_numbers<[1], [0], [0], [1], [0, 0, 1, 1], [], []>, transpose_lhs_hint = false} : vector<128x2048xf32>, vector<2048x2048xf32>, vector<128x2048xf32> -> vector<128x2048xf32>
    %get3A_34 = arith.constant 0 : index
    %get3A_35 = arith.constant 0 : index
    %get3A_36 = vector.load %arg6[%get3A_34, %get3A_35] : memref<1x2048xf32, #tpu.memory_space<vmem>>, vector<1x2048xf32>
    %add3A_37 = vector.broadcast %get3A_36 : vector<1x2048xf32> to vector<128x2048xf32>
    %add3A_38 = arith.addf %dot_general3A_33, %add3A_37 : vector<128x2048xf32>
    %swap3A = arith.constant 0 : index
    %swap3A_39 = arith.constant 0 : index
    %swap3A_40 = vector.load %arg7[%swap3A, %swap3A_39] : memref<128x2048xf32, #tpu.memory_space<vmem>>, vector<128x2048xf32>
    tpu.vector_store %arg7[%swap3A, %swap3A_39], %add3A_38 {strides = array<i32>} : memref<128x2048xf32, #tpu.memory_space<vmem>>, vector<128x2048xf32>,
    return
  }
  func.func @transform_0(%arg0: i32) -> (i32, i32) {
    %min3A = arith.constant 15 : i32
    %min3A_0 = arith.minsi %arg0, %min3A : i32
    %c0_i32 = arith.constant 0 : i32
    %c0_i32_1 = arith.constant 0 : i32
    return %min3A_0, %c0_i32 : i32, i32
  }
  func.func @transform_1(%arg0: i32) -> (i32, i32) {
    %c0_i32 = arith.constant 0 : i32
    %c0_i32_0 = arith.constant 0 : i32
    %c0_i32_1 = arith.constant 0 : i32
    return %c0_i32, %c0_i32_0 : i32, i32
  }
  func.func @transform_2(%arg0: i32) -> (i32, i32) {
    %c0_i32 = arith.constant 0 : i32
    %c0_i32_0 = arith.constant 0 : i32
    %c0_i32_1 = arith.constant 0 : i32
    return %c0_i32, %c0_i32_0 : i32, i32
  }
  func.func @transform_3(%arg0: i32) -> (i32, i32) {
    %c0_i32 = arith.constant 0 : i32
    %c0_i32_0 = arith.constant 0 : i32
    %c0_i32_1 = arith.constant 0 : i32
    return %c0_i32, %c0_i32_0 : i32, i32
  }
  func.func @transform_4(%arg0: i32) -> (i32, i32) {
    %c0_i32 = arith.constant 0 : i32
    %c0_i32_0 = arith.constant 0 : i32
    %c0_i32_1 = arith.constant 0 : i32
    return %c0_i32, %c0_i32_0 : i32, i32
  }
  func.func @transform_5(%arg0: i32) -> (i32, i32) {
    %c0_i32 = arith.constant 0 : i32
    %c0_i32_0 = arith.constant 0 : i32
    %c0_i32_1 = arith.constant 0 : i32
    return %c0_i32, %c0_i32_0 : i32, i32
  }
  func.func @transform_6(%arg0: i32) -> (i32, i32) {
    %c0_i32 = arith.constant 0 : i32
    %c0_i32_0 = arith.constant 0 : i32
    return %arg0, %c0_i32 : i32, i32
  }
}

module attributes {stable_mosaic.version = 14 : i64} {
  func.func @_ffn_body(%arg0: i32, %arg1: i32, %arg2: memref<1024x2048xf32, #tpu.memory_space<vmem>>, %arg3: memref<2048x512xbf16, #tpu.memory_space<vmem>>, %arg4: memref<512x2048xbf16, #tpu.memory_space<vmem>>, %arg5: memref<1024x2048xf32, #tpu.memory_space<vmem>>, %arg6: memref<1024x2048xbf16, #tpu.memory_space<vmem>>) attributes {dimension_semantics = [#tpu.dimension_semantics<arbitrary>, #tpu.dimension_semantics<arbitrary>], iteration_bounds = array<i64: 8, 16>, scalar_prefetch = 0 : i64, scratch_operands = 1 : i64, tpu.core_type = #tpu.core_type<tc>, window_params = [{transform_indices = @transform_0, window_bounds = array<i64: 1024, 2048>}, {transform_indices = @transform_1, window_bounds = array<i64: 2048, 512>}, {transform_indices = @transform_2, window_bounds = array<i64: 512, 2048>}, {transform_indices = @transform_3, window_bounds = array<i64: 1024, 2048>}]} {
    %eq3A = arith.constant 0 : i32
    %eq3A_0 = arith.cmpi eq, %arg1, %eq3A : i32
    %convert_element_type3A = arith.extui %eq3A_0 : i1 to i32
    %cond3A = arith.constant 0 : i32
    %cond3A_1 = arith.cmpi ne, %convert_element_type3A, %cond3A : i32
    scf.if %cond3A_1 {
      %get3A_21 = arith.constant 0 : index
      %get3A_22 = arith.constant 0 : index
      %get3A_23 = vector.load %arg2[%get3A_21, %get3A_22] : memref<1024x2048xf32, #tpu.memory_space<vmem>>, vector<1024x2048xf32>
      %reduce_sum3A = arith.constant dense<0.000000e+00> : vector<1024xf32>
      %reduce_sum3A_24 = vector.multi_reduction <add>, %get3A_23, %reduce_sum3A [1] : vector<1024x2048xf32> to vector<1024xf32>
      %broadcast_in_dim3A = vector.shape_cast %reduce_sum3A_24 : vector<1024xf32> to vector<1024x1xf32>
      %div3A = arith.constant 2.048000e+03 : f32
      %div3A_25 = vector.broadcast %div3A : f32 to vector<1024x1xf32>
      %div3A_26 = arith.divf %broadcast_in_dim3A, %div3A_25 : vector<1024x1xf32>
      %sub3A = vector.broadcast %div3A_26 : vector<1024x1xf32> to vector<1024x2048xf32>
      %sub3A_27 = arith.subf %get3A_23, %sub3A : vector<1024x2048xf32>
      %integer_pow3A = arith.mulf %sub3A_27, %sub3A_27 : vector<1024x2048xf32>
      %reduce_sum3A_28 = arith.constant dense<0.000000e+00> : vector<1024xf32>
      %reduce_sum3A_29 = vector.multi_reduction <add>, %integer_pow3A, %reduce_sum3A_28 [1] : vector<1024x2048xf32> to vector<1024xf32>
      %broadcast_in_dim3A_30 = vector.shape_cast %reduce_sum3A_29 : vector<1024xf32> to vector<1024x1xf32>
      %div3A_31 = arith.constant 2.048000e+03 : f32
      %div3A_32 = vector.broadcast %div3A_31 : f32 to vector<1024x1xf32>
      %div3A_33 = arith.divf %broadcast_in_dim3A_30, %div3A_32 : vector<1024x1xf32>
      %sub3A_34 = vector.broadcast %div3A_26 : vector<1024x1xf32> to vector<1024x2048xf32>
      %sub3A_35 = arith.subf %get3A_23, %sub3A_34 : vector<1024x2048xf32>
      %add3A_36 = arith.constant 9.99999974E-6 : f32
      %add3A_37 = vector.broadcast %add3A_36 : f32 to vector<1024x1xf32>
      %add3A_38 = arith.addf %div3A_33, %add3A_37 : vector<1024x1xf32>
      %rsqrt3A = math.rsqrt %add3A_38 : vector<1024x1xf32>
      %mul3A = vector.broadcast %rsqrt3A : vector<1024x1xf32> to vector<1024x2048xf32>
      %mul3A_39 = arith.mulf %sub3A_35, %mul3A : vector<1024x2048xf32>
      %convert_element_type3A_40 = arith.truncf %mul3A_39 : vector<1024x2048xf32> to vector<1024x2048xbf16>
      %swap3A_41 = arith.constant 0 : index
      %swap3A_42 = arith.constant 0 : index
      %swap3A_43 = vector.load %arg6[%swap3A_41, %swap3A_42] : memref<1024x2048xbf16, #tpu.memory_space<vmem>>, vector<1024x2048xbf16>
      tpu.vector_store %arg6[%swap3A_41, %swap3A_42], %convert_element_type3A_40 {strides = array<i32>} : memref<1024x2048xbf16, #tpu.memory_space<vmem>>, vector<1024x2048xbf16>,
      %swap3A_44 = arith.constant 0 : index
      %swap3A_45 = arith.constant 0 : index
      %swap3A_46 = vector.load %arg5[%swap3A_44, %swap3A_45] : memref<1024x2048xf32, #tpu.memory_space<vmem>>, vector<1024x2048xf32>
      tpu.vector_store %arg5[%swap3A_44, %swap3A_45], %get3A_23 {strides = array<i32>} : memref<1024x2048xf32, #tpu.memory_space<vmem>>, vector<1024x2048xf32>,
    } else {
    }
    %get3A = arith.constant 0 : index
    %get3A_2 = arith.constant 0 : index
    %get3A_3 = vector.load %arg6[%get3A, %get3A_2] : memref<1024x2048xbf16, #tpu.memory_space<vmem>>, vector<1024x2048xbf16>
    %get3A_4 = arith.constant 0 : index
    %get3A_5 = arith.constant 0 : index
    %get3A_6 = vector.load %arg3[%get3A_4, %get3A_5] : memref<2048x512xbf16, #tpu.memory_space<vmem>>, vector<2048x512xbf16>
    %dot_general3A = arith.constant dense<0.000000e+00> : vector<1024x512xf32>
    %dot_general3A_7 = tpu.matmul %get3A_3, %get3A_6, %dot_general3A {dimension_numbers = #tpu.dot_dimension_numbers<[1], [0], [0], [1], [0, 0, 1, 1], [], []>, transpose_lhs_hint = false} : vector<1024x2048xbf16>, vector<2048x512xbf16>, vector<1024x512xf32> -> vector<1024x512xf32>
    %max3A = arith.constant 0.000000e+00 : f32
    %max3A_8 = vector.broadcast %max3A : f32 to vector<1024x512xf32>
    %max3A_9 = arith.maximumf %dot_general3A_7, %max3A_8 : vector<1024x512xf32>
    %convert_element_type3A_10 = arith.truncf %max3A_9 : vector<1024x512xf32> to vector<1024x512xbf16>
    %get3A_11 = arith.constant 0 : index
    %get3A_12 = arith.constant 0 : index
    %get3A_13 = vector.load %arg5[%get3A_11, %get3A_12] : memref<1024x2048xf32, #tpu.memory_space<vmem>>, vector<1024x2048xf32>
    %get3A_14 = arith.constant 0 : index
    %get3A_15 = arith.constant 0 : index
    %get3A_16 = vector.load %arg4[%get3A_14, %get3A_15] : memref<512x2048xbf16, #tpu.memory_space<vmem>>, vector<512x2048xbf16>
    %dot_general3A_17 = arith.constant dense<0.000000e+00> : vector<1024x2048xf32>
    %dot_general3A_18 = tpu.matmul %convert_element_type3A_10, %get3A_16, %dot_general3A_17 {dimension_numbers = #tpu.dot_dimension_numbers<[1], [0], [0], [1], [0, 0, 1, 1], [], []>, transpose_lhs_hint = false} : vector<1024x512xbf16>, vector<512x2048xbf16>, vector<1024x2048xf32> -> vector<1024x2048xf32>
    %add3A = arith.addf %get3A_13, %dot_general3A_18 : vector<1024x2048xf32>
    %swap3A = arith.constant 0 : index
    %swap3A_19 = arith.constant 0 : index
    %swap3A_20 = vector.load %arg5[%swap3A, %swap3A_19] : memref<1024x2048xf32, #tpu.memory_space<vmem>>, vector<1024x2048xf32>
    tpu.vector_store %arg5[%swap3A, %swap3A_19], %add3A {strides = array<i32>} : memref<1024x2048xf32, #tpu.memory_space<vmem>>, vector<1024x2048xf32>,
    return
  }
  func.func @transform_0(%arg0: i32, %arg1: i32) -> (i32, i32) {
    %add3A = arith.constant 0 : i32
    %add3A_0 = arith.addi %arg0, %add3A : i32
    %c0_i32 = arith.constant 0 : i32
    %c0_i32_1 = arith.constant 0 : i32
    return %add3A_0, %c0_i32 : i32, i32
  }
  func.func @transform_1(%arg0: i32, %arg1: i32) -> (i32, i32) {
    %c0_i32 = arith.constant 0 : i32
    %c0_i32_0 = arith.constant 0 : i32
    return %c0_i32, %arg1 : i32, i32
  }
  func.func @transform_2(%arg0: i32, %arg1: i32) -> (i32, i32) {
    %c0_i32 = arith.constant 0 : i32
    %c0_i32_0 = arith.constant 0 : i32
    return %arg1, %c0_i32 : i32, i32
  }
  func.func @transform_3(%arg0: i32, %arg1: i32) -> (i32, i32) {
    %c0_i32 = arith.constant 0 : i32
    %c0_i32_0 = arith.constant 0 : i32
    return %arg0, %c0_i32 : i32, i32
  }
}

</mosaic_0001>

<sc_bundles>
// kernel: kernel.11.cloned.1.call-start
scs
__scs_entry_jumppad:
0x0: {  	(pc) =	sbr.rel $0x88, $3  }
0x1: {  	(tag) =	ssettag $0x0;
	lr =	simm.s32 $0x1  }
0x2: {  	[smem:$0x3F96] =	sst lr;
	_ =	strace $0xD0000000  }
0x3: {  	_ = 	snop  }
0x4: {  	_ = 	snop  }
0x5: {  	_ = 	snop  }
0x6: {  	_ = 	snop  }
0x7: {  	_ = 	snop  }
__scs_overlays_trampoline_lowered:
0x8: {  	[smem:$0x3FA5] =	sst s0  }
0x9: {  	[smem:$0x3FA6] =	sst s1  }
0xa: {  	[smem:$0x3FA7] =	sst s2  }
0xb: {  	[smem:$0x3FA8] =	sst s3  }
0xc: {  	[smem:$0x3FA9] =	sst s4  }
0xd: {  	[smem:$0x3FAA] =	sst s5  }
0xe: {  	[smem:$0x3FAB] =	sst s6  }
0xf: {  	[smem:$0x3FAC] =	sst s7  }
0x10: {  	[smem:$0x3FAD] =	sst s8  }
0x11: {  	[smem:$0x3FAE] =	sst s9;
	s0 =	simm.s32 @!p0 $0x0  }
0x12: {  	s1 =	sld [smem:$0x3F94];
	s0 =	simm.s32 @p0 $0x1  }
0x13: {  	[smem:$0x3FAF] =	sst s0;
	s0 =	simm.s32 @!p1 $0x0  }
0x14: {  	s2 =	sld [smem:$0x3F93];
	s0 =	simm.s32 @p1 $0x1  }
0x15: {  	[smem:$0x3FB0] =	sst s0;
	s0 =	simm.s32 @!p2 $0x0  }
0x16: {  	s3 =	sld [smem:$0x3FDB];
	s0 =	simm.s32 @p2 $0x1  }
0x17: {  	s4 =	simm.s32 $0x1BF5;
	[smem:$0x3FB2] =	sst s0  }
0x18: {  	s0 =	sld [smem:$0x3F95];
	_ =	swait.ge [sflag:s4], $0x0  }
0x19: {  	s7 =	sld [smem:$0x3F96]  }
0x1a: {  	s8 =	sadd.s32 $0xFFFFE003, lr  }
0x1b: {  	s9 =	sadd.s32 $0xFFFFFEF7, lr;
	s5 =	simm.s32 $0xFFFFFFFF;
	p2 =	slt.u32 s8, $0xFFFFF086  }
0x1c: {  	p1 =	slt.u32 s9, $0xF7A;
	s5 =	simm.s32 @!p2 $0x0  }
0x1d: {  	s5 =	simm.s32 @p1 $0x1;
	p0 =	seq.s32 s7, s2  }
0x1e: {  	s7 =	smul.u32 @!p0 $0xF7A, s2;
	p2 =	seq.s32 @!p0 s5, $0x0  }
0x1f: {  	s9 =	smul.u32 $0xF7A, s1;
	s8 =	simm.s32 @!p0 $0x1BF5;
	p2 =	por !p2, p0  }
0x20: {  	[sflag:s8] =	ssyncset.s32 @!p0 $0xFFFFF086;
	s6 =	sadd.s32 @!p0 s3, s7;
	s7 =	simm.s32 @!p0 $0x108  }
0x21: {  	s3 =	sadd.s32 s3, s9;
	s6 =	sadd.s32 @!p0 $0x88, s6;
	s7 =	simm.s32 @p2 $0x1082  }
0x22: {  	[simem:s7], [sflag:s8] =	dma.local @!p0 [hbm:s6], $0xF7A  }
0x23: {  	s9 =	sor.u32 $0xD0000000, s2;
	s6 =	simm.s32 $0x108;
	_ =	swait.ge @!p0 [sflag:s8], $0x0  }
0x24: {  	s3 =	sadd.s32 $0x88, s3;
	s6 =	simm.s32 @!p1 $0x1082;
	[sflag:s4] =	ssyncset.s32 $0xFFFFF086  }
0x25: {  	[simem:s6], [sflag:s4] =	dma.local [hbm:s3], $0xF7A  }
0x26: {  	[smem:$0x3F96] =	sst s1;
	(tag) =	ssettag s2;
	_ =	strace s9  }
0x27: {  	s1 =	sld [smem:$0x3FA6]  }
0x28: {  	s2 =	sld [smem:$0x3FA7]  }
0x29: {  	s4 =	sld [smem:$0x3FA9]  }
0x2a: {  	p0 =	seq.s32 s5, $0x0;
	s5 =	sld [smem:$0x3FAA]  }
0x2b: {  	s6 =	sld [smem:$0x3FAB]  }
0x2c: {  	s7 =	sld [smem:$0x3FAC]  }
0x2d: {  	s3 =	simm.s32 $0x108;
	s8 =	sld [smem:$0x3FAD]  }
0x2e: {  	s3 =	simm.s32 @!p0 $0x1082;
	s9 =	sld [smem:$0x3FAE]  }
0x2f: {  	lr =	sadd.s32 s0, s3;
	s0 =	sld [smem:$0x3FA5]  }
0x30: {  	s3 =	sld [smem:$0x3FA8]  }
0x31: {  	[smem:$0x3FB1] =	sst s10  }
0x32: {  	s10 =	sld [smem:$0x3FAF];
	_ =	sdelay $0x3  }
0x33: {  	p0 =	seq.s32 s10, $0x1;
	s10 =	sld [smem:$0x3FB1];
	_ =	sdelay $0x3  }
0x34: {  	[smem:$0x3FB1] =	sst s10  }
0x35: {  	s10 =	sld [smem:$0x3FB0];
	_ =	sdelay $0x3  }
0x36: {  	p1 =	seq.s32 s10, $0x1;
	s10 =	sld [smem:$0x3FB1];
	_ =	sdelay $0x3  }
0x37: {  	[smem:$0x3FB1] =	sst s10  }
0x38: {  	s10 =	sld [smem:$0x3FB2]  }
0x39: {  	_ = 	snop;
	(pc) =	sbr.ind lr, $3  }
0x3a: {  	_ = 	snop  }
0x3b: {  	_ = 	snop  }
0x3c: {  	p2 =	seq.s32 s10, $0x1;
	s10 =	sld [smem:$0x3FB1]  }
0x3d: {  	_ =	shalt  }
0x3e: {  	_ =	shalt  }
0x3f: {  	_ =	shalt  }
0x40: {  	_ =	shalt  }
0x41: {  	_ =	shalt  }
0x42: {  	_ =	shalt  }
0x43: {  	_ =	shalt  }
0x44: {  	_ =	shalt  }
0x45: {  	_ =	shalt  }
0x46: {  	_ =	shalt  }
0x47: {  	_ =	shalt  }
0x48: {  	_ =	shalt  }
0x49: {  	_ =	shalt  }
0x4a: {  	_ =	shalt  }
0x4b: {  	_ =	shalt  }
0x4c: {  	_ =	shalt  }
0x4d: {  	_ =	shalt  }
0x4e: {  	_ =	shalt  }
0x4f: {  	_ =	shalt  }
0x50: {  	_ =	shalt  }
0x51: {  	_ =	shalt  }
0x52: {  	_ =	shalt  }
0x53: {  	_ =	shalt  }
0x54: {  	_ =	shalt  }
0x55: {  	_ =	shalt  }
0x56: {  	_ =	shalt  }
0x57: {  	_ =	shalt  }
0x58: {  	_ =	shalt  }
0x59: {  	_ =	shalt  }
0x5a: {  	_ =	shalt  }
0x5b: {  	_ =	shalt  }
0x5c: {  	_ =	shalt  }
0x5d: {  	_ =	shalt  }
0x5e: {  	_ =	shalt  }
0x5f: {  	_ =	shalt  }
0x60: {  	_ =	shalt  }
0x61: {  	_ =	shalt  }
0x62: {  	_ =	shalt  }
0x63: {  	_ =	shalt  }
0x64: {  	_ =	shalt  }
0x65: {  	_ =	shalt  }
0x66: {  	_ =	shalt  }
0x67: {  	_ =	shalt  }
0x68: {  	_ =	shalt  }
0x69: {  	_ =	shalt  }
0x6a: {  	_ =	shalt  }
0x6b: {  	_ =	shalt  }
0x6c: {  	_ =	shalt  }
0x6d: {  	_ =	shalt  }
0x6e: {  	_ =	shalt  }
0x6f: {  	_ =	shalt  }
0x70: {  	_ =	shalt  }
0x71: {  	_ =	shalt  }
0x72: {  	_ =	shalt  }
0x73: {  	_ =	shalt  }
0x74: {  	_ =	shalt  }
0x75: {  	_ =	shalt  }
0x76: {  	_ =	shalt  }
0x77: {  	_ =	shalt  }
0x78: {  	_ =	shalt  }
0x79: {  	_ =	shalt  }
0x7a: {  	_ =	shalt  }
0x7b: {  	_ =	shalt  }
0x7c: {  	_ =	shalt  }
0x7d: {  	_ =	shalt  }
0x7e: {  	_ =	shalt  }
0x7f: {  	_ =	shalt  }
0x80: {  	_ =	shalt  }
0x81: {  	_ =	shalt  }
0x82: {  	_ =	shalt  }
0x83: {  	_ =	shalt  }
0x84: {  	_ =	shalt  }
0x85: {  	_ =	shalt  }
0x86: {  	_ =	shalt  }
0x87: {  	_ =	shalt  }
.Lfunc_end0:
.L_simem_size_0:
called_computation.1_lowered:
.L_overlay_start_0:
0x88: {  	s2 =	sld [smem:$0x3FD9]  }
0x89: {  	s3 =	sld [smem:$0x3FFE];
	_ =	sdelay $0x1  }
0x8a: {  	s1 =	srdreg.scid  }
0x8b: {  	s0 =	sand.u32 $0x1, s1  }
0x8c: {  	s18 =	sshll.u32 s0, $0xA;
	s2 =	sadd.s32 s3, s2  }
0x8d: {  	s2 =	sadd.s32 s2, s18  }
0x8e: {  	[smem:$0x3FBD] =	sst s2  }
0x8f: {  	_ = 	snop  }
0x90: {  	s2 =	sld [smem:$0x3FC8]  }
0x91: {  	s19 =	sld [smem:$0x3FC7]  }
0x92: {  	s4 =	sld [smem:$0x3FD0];
	(tm) =	ssettm $0x1  }
0x93: {  	s5 =	sld [smem:$0x3FFB];
	_ =	sdelay $0x3  }
0x94: {  	_ =	strace s5  }
0x95: {  	s5 =	sld [smem:$0x3FFC];
	_ =	sdelay $0x3  }
0x96: {  	_ =	strace s5  }
0x97: {  	s5 =	sld [smem:$0x3FFD];
	_ =	sdelay $0x3  }
0x98: {  	_ =	strace s5  }
0x99: {  	_ =	strace $0x8FFFFFFF  }
0x9a: {  	s20 =	sld [smem:$0x3FDB];
	_ =	sdelay $0x1  }
0x9b: {  	s6 =	simm.s32 $_scs_section_size  }
0x9c: {  	s7 =	simm.s32 $_size__tile_overlayer_lowered;
	s8 =	simm.s32 $_tile_overlayer_lowered  }
0x9d: {  	s23 =	simm.s32 $0x1BFF;
	s22 =	sshll.u32 s8, $0x1;
	s5 =	sadd.s32 s6, s20  }
0x9e: {  	s9 =	simm.s32 $0x0;
	s21 =	sshll.u32 s7, $0x1;
	s7 =	sadd.s32 s22, s5  }
0x9f: {  	[timem:s9], [sflag:s23] =	dma.local [hbm:s7], s21  }
0xa0: {  	_ =	swait.ge [sflag:s23], s21  }
0xa1: {  	s6 =	ssub.s32 $0x0, s21;
	[sflag:s23] =	ssyncset.done $0x0  }
0xa2: {  	[sflag:s23] =	ssyncadd.s32 s6;
	_ =	sdelay $0x1  }
0xa3: {  	s24 =	simm.s32 $0x1B8B  }
0xa4: {  	_ =	swait.ge [sflag:s24], $0x1  }
0xa5: {  	[sflag:s24] =	ssyncset.done $0x0  }
0xa6: {  	s25 =	simm.s32 $0x1B8E;
	[sflag:s24] =	ssyncadd.s32 $0xFFFFFFFF  }
0xa7: {  	s26 =	simm.s32 $execute0_lowered;
	[smem:$0x3FD2] =	sst s25  }
0xa8: {  	s6 =	sshll.u32 s26, $0x1;
	_ =	strace $0x80000046;
	[dreg:$0x1] =	wrdreg $0xFFFFFFFF  }
0xa9: {  	s28 =	simm.s32 $_size_execute0_lowered;
	s5 =	sadd.s32 s5, s6;
	[dreg:$0x0] =	wrdreg $0x0  }
0xaa: {  	s6 =	sshll.u32 s28, $0x1;
	[dreg:$0x2] =	wrdreg s5  }
0xab: {  	[dreg:$0x3] =	wrdreg s6  }
0xac: {  	[dreg:$0x4] =	wrdreg $0xC0  }
0xad: {  	_ =	task [dreg:s9], $0x5FFFF  }
0xae: {  	[dreg:$0x1] =	wrdreg $0xFFFFFFFF  }
0xaf: {  	[dreg:$0x0] =	wrdreg $0x60  }
0xb0: {  	[dreg:$0x2] =	wrdreg s19  }
0xb1: {  	[dreg:$0x3] =	wrdreg s2  }
0xb2: {  	[dreg:$0x4] =	wrdreg s4  }
0xb3: {  	[dreg:$0x5] =	wrdreg $0xA  }
0xb4: {  	_ =	task.clear_ibuf [dreg:s9], $0x6FFFF;
	_ =	strace $0x90000046  }
0xb5: {  	s29 =	simm.s32 $0xA;
	_ =	strace $0x80000048  }
0xb6: {  	_ =	swait.ge [sflag:s29], $0x1  }
0xb7: {  	[sflag:s29] =	ssyncadd.s32 $0xFFFFFFFF  }
0xb8: {  	_ =	strace $0x90000048  }
0xb9: {  	_ =	sfence  }
0xba: {  	s30 =	sld [smem:$0x0];
	_ =	sdelay $0x2  }
0xbb: {  	s31 =	sshll.u32 s1, $0xD;
	s1 =	sshrl.u32 s1, $0x2  }
0xbc: {  	s3 =	sand.u32 $0x4000, s31;
	s1 =	sadd.s32 s1, s30  }
0xbd: {  	s0 =	sor.u32 s3, s0;
	s1 =	sshll.u32 s1, $0x11  }
0xbe: {  	s0 =	sor.u32 s1, s0  }
0xbf: {  	s0 =	sadd.s32 $0x8F2B, s0  }
0xc0: {  	[sflag:s0] =	ssyncadd.remote.s32 $0x1  }
0xc1: {  	_ =	sfence.sel $0xFFFF  }
0xc2: {  	[dreg:$0x0] =	wrdreg $0xFFFFFFFF;
	(pc) =	sbr.abs _section_cstart, $3  }
0xc3: {  	[dreg:$0x1] =	wrdreg $0xFFFFFFFF  }
0xc4: {  	_ =	task.clear_ibuf [dreg:s9], $0x2FFFF;
	_ =	strace $0x9FFFFFFF  }
0xc5: {  	(tm) =	ssettm $0x7FFFFFFF  }
tec
execute0_lowered:
.L_overlay_start_1:
0x0: {  	(tag) =	ssettag $0x1  }
0x1: {  	s1 =	rddreg [dreg:$0x0]  }
0x2: {  	s0 =	rddreg [dreg:$0x1]  }
0x3: {  	s4 =	rddreg [dreg:$0x2];
	s5 =	srdreg.scid  }
0x4: {  	s3 =	simm.s32 $0x0;
	s2 =	stileid.u32;
	s11 =	simm.s32 $0x5  }
0x5: {  	s12 =	simm.s32 $0x80;
	s13 =	simm.s32 $0x880;
	s14 =	simm.s32 $0x1080  }
0x6: {  	s15 =	simm.s32 $0x1880;
	s16 =	simm.s32 $0x2080;
	s17 =	simm.s32 $0x2880  }
0x7: {  	s18 =	simm.s32 $0x3080;
	s19 =	simm.s32 $0x3880;
	s20 =	simm.s32 $0x4080  }
0x8: {  	s21 =	simm.s32 $0x4880;
	s22 =	simm.s32 $0x5080;
	s23 =	simm.s32 $0x5880  }
0x9: {  	s24 =	simm.s32 $0x6080;
	s28 =	simm.s32 $0x7880;
	s29 =	simm.s32 $0x1  }
0xa: {  	s30 =	simm.s32 $0x3;
	s31 =	simm.s32 $0x2;
	s5 =	sand.u32 $0x1, s5  }
0xb: {  	[smem:$0x7FF] =	sst s3;
	s6 =	sshll.u32 s2, $0x7;
	s7 =	sshll.u32 s5, $0x6  }
0xc: {  	_ =	strace $0x80000047;
	s5 =	ssub.s32 $0x2, s5;
	s6 =	sor.u32 s7, s6  }
0xd: {  	s25 =	sshrl.u32 s5, $0x1;
	s7 =	sadd.s32 $0x300, s1;
	s8 =	sshrl.u32 s6, $0x3  }
0xe: {  	s6 =	sshll.u32 s6, $0x7;
	s10 =	ssub.s32 s5, s25;
	s5 =	sadd.s32 $0x100, s1  }
0xf: {  	s25 =	simm.s32 $0x6880;
	s0 =	sadd.s32 s0, s8;
	s4 =	sadd.s32 s4, s6  }
0x10: {  	v2 =	vlaneseq.u32;
	s6 =	sadd.s32 $0x200, s1;
	s10 =	smax.u32 s10, $0x1;
	[dreg:$0x4] =	wrdreg s0  }
0x11: {  	vm0 =	vmmov $0xffff;
	v1 =	vshrl.u32 v2, $0x3;
	s26 =	sadd.s32 $0x800, s4;
	s8 =	sadd.s32 $0x1000, s4;
	s9 =	sadd.s32 $0x1800, s4  }
0x12: {  	v0 =	vand.u32 $0x7, v2;
	v2 =	vor.u32 $0x8, v2;
	v1 =	vmul.u32 $0x8, v1;
	s0 =	simm.s32 $0x4;
	[dreg:$0x5] =	wrdreg s26;
	s26 =	simm.s32 $0x7080  }
.LBB2_1:
0x13: {  	s2 =	rddreg [dreg:$0x4]  }
0x14: {  	[tilespmem:s3], [sflag:$0x5] =	stream.linear.gather [hbm4b:s2+s3], $0x40, $0x38;
	[tilespmem:$0x8080] =	vst v63  }
0x15: {  	_ =	swait.ge [sflag:s11], $0x40  }
0x16: {  	[sflag:s11] =	ssyncset.done $0x0  }
0x17: {  	[sflag:s11] =	ssyncadd.s32 $0xFFFFFFC0  }
0x18: {  	v3 =	vld [tilespmem:$0x0];
	_ =	sdelay $0x4  }
0x19: {  	v4 =	vshll.u32 v3, $0x3  }
0x1a: {  	v3 =	vand.u32 $0x7, v3;
	v4 =	vand.u32 $0xFFFFFFC0, v4  }
0x1b: {  	v3 =	vor.u32 v3, v4  }
0x1c: {  	v4 =	vperm.xlane v3, v0;
	_ =	sdelay $0x1  }
0x1d: {  	v4 =	vadd.s32 v1, v4;
	_ =	sdelay $0x4  }
0x1e: {  	[tilespmem:s12], [sflag:$0x1] =	stream.indirect_vreg.gather [hbm4b:s1+s3], $0x80, v4, vm0, $0xb8;
	[tilespmem:$0x8080] =	vst v63  }
0x1f: {  	v3 =	vperm.xlane v3, v2  }
0x20: {  	[tilespmem:s13], [sflag:$0x1] =	stream.indirect_vreg.gather [hbm4b:s5+s3], $0x80, v4, vm0, $0xb8;
	[tilespmem:$0x8080] =	vst v63  }
0x21: {  	v3 =	vadd.s32 v1, v3  }
0x22: {  	[tilespmem:s14], [sflag:$0x1] =	stream.indirect_vreg.gather [hbm4b:s6+s3], $0x80, v4, vm0, $0xb8;
	[tilespmem:$0x8080] =	vst v63  }
0x23: {  	_ = 	snop  }
0x24: {  	[tilespmem:s15], [sflag:$0x1] =	stream.indirect_vreg.gather [hbm4b:s7+s3], $0x80, v4, vm0, $0xb8;
	[tilespmem:$0x8080] =	vst v63  }
0x25: {  	_ = 	snop  }
0x26: {  	[tilespmem:s16], [sflag:$0x1] =	stream.indirect_vreg.gather [hbm4b:s1+s3], $0x80, v3, vm0, $0xb8;
	[tilespmem:$0x8080] =	vst v63  }
0x27: {  	_ = 	snop  }
0x28: {  	[tilespmem:s17], [sflag:$0x1] =	stream.indirect_vreg.gather [hbm4b:s5+s3], $0x80, v3, vm0, $0xb8;
	[tilespmem:$0x8080] =	vst v63  }
0x29: {  	_ = 	snop  }
0x2a: {  	[tilespmem:s18], [sflag:$0x1] =	stream.indirect_vreg.gather [hbm4b:s6+s3], $0x80, v3, vm0, $0xb8;
	[tilespmem:$0x8080] =	vst v63  }
0x2b: {  	_ = 	snop  }
0x2c: {  	[tilespmem:s19], [sflag:$0x1] =	stream.indirect_vreg.gather [hbm4b:s7+s3], $0x80, v3, vm0, $0xb8;
	[tilespmem:$0x8080] =	vst v63  }
0x2d: {  	v3 =	vld [tilespmem:$0x10];
	_ =	sdelay $0x4  }
0x2e: {  	v61 =	vshll.u32 v3, $0x3  }
0x2f: {  	v3 =	vand.u32 $0x7, v3;
	v4 =	vand.u32 $0xFFFFFFC0, v61  }
0x30: {  	v3 =	vor.u32 v3, v4  }
0x31: {  	v4 =	vperm.xlane v3, v0;
	_ =	sdelay $0x1  }
0x32: {  	v4 =	vadd.s32 v1, v4;
	_ =	sdelay $0x4  }
0x33: {  	[tilespmem:s20], [sflag:$0x2] =	stream.indirect_vreg.gather [hbm4b:s1+s3], $0x80, v4, vm0, $0xb8;
	[tilespmem:$0x8080] =	vst v63  }
0x34: {  	v3 =	vperm.xlane v3, v2  }
0x35: {  	[tilespmem:s21], [sflag:$0x2] =	stream.indirect_vreg.gather [hbm4b:s5+s3], $0x80, v4, vm0, $0xb8;
	[tilespmem:$0x8080] =	vst v63  }
0x36: {  	v3 =	vadd.s32 v1, v3  }
0x37: {  	[tilespmem:s22], [sflag:$0x2] =	stream.indirect_vreg.gather [hbm4b:s6+s3], $0x80, v4, vm0, $0xb8;
	[tilespmem:$0x8080] =	vst v63  }
0x38: {  	_ = 	snop  }
0x39: {  	[tilespmem:s23], [sflag:$0x2] =	stream.indirect_vreg.gather [hbm4b:s7+s3], $0x80, v4, vm0, $0xb8;
	[tilespmem:$0x8080] =	vst v63  }
0x3a: {  	_ = 	snop  }
0x3b: {  	[tilespmem:s24], [sflag:$0x2] =	stream.indirect_vreg.gather [hbm4b:s1+s3], $0x80, v3, vm0, $0xb8;
	[tilespmem:$0x8080] =	vst v63  }
0x3c: {  	_ = 	snop  }
0x3d: {  	[tilespmem:s25], [sflag:$0x2] =	stream.indirect_vreg.gather [hbm4b:s5+s3], $0x80, v3, vm0, $0xb8;
	[tilespmem:$0x8080] =	vst v63  }
0x3e: {  	_ = 	snop  }
0x3f: {  	[tilespmem:s26], [sflag:$0x2] =	stream.indirect_vreg.gather [hbm4b:s6+s3], $0x80, v3, vm0, $0xb8;
	[tilespmem:$0x8080] =	vst v63  }
0x40: {  	_ = 	snop  }
0x41: {  	[tilespmem:s28], [sflag:$0x2] =	stream.indirect_vreg.gather [hbm4b:s7+s3], $0x80, v3, vm0, $0xb8;
	[tilespmem:$0x8080] =	vst v63  }
0x42: {  	_ =	swait.ge [sflag:s29], $0x4000  }
0x43: {  	[sflag:s29] =	ssyncset.done $0x0  }
0x44: {  	[sflag:s29] =	ssyncadd.s32 $0xFFFFC000  }
0x45: {  	[hbm4b:s4+s3] =	stream.linear.scatter [tilespmem:s12], [sflag:$0x3], $0x4000, $0x38;
	[tilespmem:$0x8080] =	vst v63  }
0x46: {  	_ =	swait.ge [sflag:s30], $0x4000  }
0x47: {  	[sflag:s30] =	ssyncset.done $0x0  }
0x48: {  	[sflag:s30] =	ssyncadd.s32 $0xFFFFC000  }
0x49: {  	v3 =	vld [tilespmem:$0x20];
	_ =	sdelay $0x4  }
0x4a: {  	v62 =	vshll.u32 v3, $0x3  }
0x4b: {  	v3 =	vand.u32 $0x7, v3;
	v4 =	vand.u32 $0xFFFFFFC0, v62  }
0x4c: {  	v3 =	vor.u32 v3, v4  }
0x4d: {  	v4 =	vperm.xlane v3, v0;
	_ =	sdelay $0x1  }
0x4e: {  	v4 =	vadd.s32 v1, v4;
	_ =	sdelay $0x4  }
0x4f: {  	[tilespmem:s12], [sflag:$0x1] =	stream.indirect_vreg.gather [hbm4b:s1+s3], $0x80, v4, vm0, $0xb8;
	[tilespmem:$0x8080] =	vst v63  }
0x50: {  	v3 =	vperm.xlane v3, v2  }
0x51: {  	[tilespmem:s13], [sflag:$0x1] =	stream.indirect_vreg.gather [hbm4b:s5+s3], $0x80, v4, vm0, $0xb8;
	[tilespmem:$0x8080] =	vst v63  }
0x52: {  	v3 =	vadd.s32 v1, v3  }
0x53: {  	[tilespmem:s14], [sflag:$0x1] =	stream.indirect_vreg.gather [hbm4b:s6+s3], $0x80, v4, vm0, $0xb8;
	[tilespmem:$0x8080] =	vst v63  }
0x54: {  	_ = 	snop  }
0x55: {  	[tilespmem:s15], [sflag:$0x1] =	stream.indirect_vreg.gather [hbm4b:s7+s3], $0x80, v4, vm0, $0xb8;
	[tilespmem:$0x8080] =	vst v63  }
0x56: {  	_ = 	snop  }
0x57: {  	[tilespmem:s16], [sflag:$0x1] =	stream.indirect_vreg.gather [hbm4b:s1+s3], $0x80, v3, vm0, $0xb8;
	[tilespmem:$0x8080] =	vst v63  }
0x58: {  	_ = 	snop  }
0x59: {  	[tilespmem:s17], [sflag:$0x1] =	stream.indirect_vreg.gather [hbm4b:s5+s3], $0x80, v3, vm0, $0xb8;
	[tilespmem:$0x8080] =	vst v63  }
0x5a: {  	_ = 	snop  }
0x5b: {  	[tilespmem:s18], [sflag:$0x1] =	stream.indirect_vreg.gather [hbm4b:s6+s3], $0x80, v3, vm0, $0xb8;
	[tilespmem:$0x8080] =	vst v63  }
0x5c: {  	_ = 	snop  }
0x5d: {  	[tilespmem:s19], [sflag:$0x1] =	stream.indirect_vreg.gather [hbm4b:s7+s3], $0x80, v3, vm0, $0xb8;
	[tilespmem:$0x8080] =	vst v63  }
0x5e: {  	_ =	swait.ge [sflag:s31], $0x4000  }
0x5f: {  	[sflag:s31] =	ssyncset.done $0x0  }
0x60: {  	s2 =	rddreg [dreg:$0x5];
	[sflag:s31] =	ssyncadd.s32 $0xFFFFC000  }
0x61: {  	[hbm4b:s2+s3] =	stream.linear.scatter [tilespmem:s20], [sflag:$0x4], $0x4000, $0x38;
	[tilespmem:$0x8080] =	vst v63  }
0x62: {  	_ =	swait.ge [sflag:s0], $0x4000  }
0x63: {  	[sflag:s0] =	ssyncset.done $0x0  }
0x64: {  	[sflag:s0] =	ssyncadd.s32 $0xFFFFC000  }
0x65: {  	v3 =	vld [tilespmem:$0x30];
	_ =	sdelay $0x4  }
0x66: {  	v63 =	vshll.u32 v3, $0x3  }
0x67: {  	v3 =	vand.u32 $0x7, v3;
	v4 =	vand.u32 $0xFFFFFFC0, v63  }
0x68: {  	v3 =	vor.u32 v3, v4  }
0x69: {  	v4 =	vperm.xlane v3, v0;
	_ =	sdelay $0x1  }
0x6a: {  	v4 =	vadd.s32 v1, v4;
	_ =	sdelay $0x4  }
0x6b: {  	[tilespmem:s20], [sflag:$0x2] =	stream.indirect_vreg.gather [hbm4b:s1+s3], $0x80, v4, vm0, $0xb8;
	[tilespmem:$0x8080] =	vst v63  }
0x6c: {  	v3 =	vperm.xlane v3, v2  }
0x6d: {  	[tilespmem:s21], [sflag:$0x2] =	stream.indirect_vreg.gather [hbm4b:s5+s3], $0x80, v4, vm0, $0xb8;
	[tilespmem:$0x8080] =	vst v63  }
0x6e: {  	v3 =	vadd.s32 v1, v3  }
0x6f: {  	[tilespmem:s22], [sflag:$0x2] =	stream.indirect_vreg.gather [hbm4b:s6+s3], $0x80, v4, vm0, $0xb8;
	[tilespmem:$0x8080] =	vst v63  }
0x70: {  	_ = 	snop  }
0x71: {  	[tilespmem:s23], [sflag:$0x2] =	stream.indirect_vreg.gather [hbm4b:s7+s3], $0x80, v4, vm0, $0xb8;
	[tilespmem:$0x8080] =	vst v63  }
0x72: {  	_ = 	snop  }
0x73: {  	[tilespmem:s24], [sflag:$0x2] =	stream.indirect_vreg.gather [hbm4b:s1+s3], $0x80, v3, vm0, $0xb8;
	[tilespmem:$0x8080] =	vst v63  }
0x74: {  	_ = 	snop  }
0x75: {  	[tilespmem:s25], [sflag:$0x2] =	stream.indirect_vreg.gather [hbm4b:s5+s3], $0x80, v3, vm0, $0xb8;
	[tilespmem:$0x8080] =	vst v63  }
0x76: {  	_ = 	snop  }
0x77: {  	[tilespmem:s26], [sflag:$0x2] =	stream.indirect_vreg.gather [hbm4b:s6+s3], $0x80, v3, vm0, $0xb8;
	[tilespmem:$0x8080] =	vst v63  }
0x78: {  	_ = 	snop  }
0x79: {  	[tilespmem:s28], [sflag:$0x2] =	stream.indirect_vreg.gather [hbm4b:s7+s3], $0x80, v3, vm0, $0xb8;
	[tilespmem:$0x8080] =	vst v63  }
0x7a: {  	_ =	swait.ge [sflag:s29], $0x4000  }
0x7b: {  	[sflag:s29] =	ssyncset.done $0x0  }
0x7c: {  	[sflag:s29] =	ssyncadd.s32 $0xFFFFC000  }
0x7d: {  	[hbm4b:s8+s3] =	stream.linear.scatter [tilespmem:s12], [sflag:$0x3], $0x4000, $0x38;
	[tilespmem:$0x8080] =	vst v63  }
0x7e: {  	_ =	swait.ge [sflag:s31], $0x4000  }
0x7f: {  	[sflag:s31] =	ssyncset.done $0x0  }
0x80: {  	[sflag:s31] =	ssyncadd.s32 $0xFFFFC000  }
0x81: {  	[hbm4b:s9+s3] =	stream.linear.scatter [tilespmem:s20], [sflag:$0x4], $0x4000, $0x38;
	[tilespmem:$0x8080] =	vst v63  }
0x82: {  	p0 =	sne.s32 s10, $0x1;
	_ =	swait.ge [sflag:s30], $0x4000  }
.Ltmp0:
0x83: {  	[sflag:s30] =	ssyncset.done $0x0;
	(pc) =	sbr.rel @p0 .LBB2_1-.Ltmp0, $4  }
0x84: {  	[sflag:s30] =	ssyncadd.s32 $0xFFFFC000  }
0x85: {  	_ =	swait.ge [sflag:s0], $0x4000  }
0x86: {  	[sflag:s0] =	ssyncset.done $0x0  }
0x87: {  	s10 =	sadd.s32 $0xFFFFFFFF, s10;
	[sflag:s0] =	ssyncadd.s32 $0xFFFFC000  }
0x88: {  	_ =	sfence.sel $0x180000  }
0x89: {  	[bflag:$0x0] =	sbarrier.arrive $0xFFFF  }
0x8a: {  	_ =	strace $0x90000047  }
0x8b: {  	s0 =	stileid.u32;
	[bflag:$0x2] =	sbarrier.arrive $0xFFFF  }
0x8c: {  	p0 =	sne.s32 s0, $0x0;
	s0 =	rddreg [dreg:$0x3]  }
0x8d: {  	s0 =	sadd.s32 @!p0 $0x100000, s0  }
0x8e: {  	[sflag:s0] =	ssyncadd.tile.s32 @!p0 $0x1;
	_ =	shalt  }
.Lfunc_end2:
_tile_overlayer_lowered:
.L_overlay_start_2:
0x8f: {  	(tag) =	ssettag $0x2  }
0x90: {  	s0 =	rddreg [dreg:$0x0];
	s2 =	stileid.u32  }
0x91: {  	s1 =	rddreg [dreg:$0x1];
	p0 =	sne.s32 s2, $0x0  }
0x92: {  	s3 =	rddreg [dreg:$0x2];
	[bflag:$0x3] =	sbarrier.arrive $0xFFFF;
	s2 =	simm.s32 @!p0 $0x1C05  }
0x93: {  	[timem:s3], [sflag:s2] =	dma.local @!p0 [hbm:s0], s1  }
0x94: {  	s0 =	simm.s32 @!p0 $0x5  }
0x95: {  	_ =	swait.ge @!p0 [sflag:s0], s1  }
0x96: {  	s1 =	ssub.s32 @!p0 $0x0, s1;
	[sflag:s0] =	ssyncset.done @!p0 $0x0  }
0x97: {  	[sflag:s0] =	ssyncadd.s32 @!p0 s1  }
0x98: {  	[bflag:$0x3] =	sbarrier.arrive $0xFFFF  }
0x99: {  	_ =	shalt  }

// kernel: kernel.8.cloned.1.call-start
scs
__scs_entry_jumppad:
0x0: {  	(pc) =	sbr.rel $0x88, $3  }
0x1: {  	(tag) =	ssettag $0x0;
	lr =	simm.s32 $0x1  }
0x2: {  	[smem:$0x3F96] =	sst lr;
	_ =	strace $0xD0000000  }
0x3: {  	_ = 	snop  }
0x4: {  	_ = 	snop  }
0x5: {  	_ = 	snop  }
0x6: {  	_ = 	snop  }
0x7: {  	_ = 	snop  }
__scs_overlays_trampoline_lowered:
0x8: {  	[smem:$0x3FA5] =	sst s0  }
0x9: {  	[smem:$0x3FA6] =	sst s1  }
0xa: {  	[smem:$0x3FA7] =	sst s2  }
0xb: {  	[smem:$0x3FA8] =	sst s3  }
0xc: {  	[smem:$0x3FA9] =	sst s4  }
0xd: {  	[smem:$0x3FAA] =	sst s5  }
0xe: {  	[smem:$0x3FAB] =	sst s6  }
0xf: {  	[smem:$0x3FAC] =	sst s7  }
0x10: {  	[smem:$0x3FAD] =	sst s8  }
0x11: {  	[smem:$0x3FAE] =	sst s9;
	s0 =	simm.s32 @!p0 $0x0  }
0x12: {  	s1 =	sld [smem:$0x3F94];
	s0 =	simm.s32 @p0 $0x1  }
0x13: {  	[smem:$0x3FAF] =	sst s0;
	s0 =	simm.s32 @!p1 $0x0  }
0x14: {  	s2 =	sld [smem:$0x3F93];
	s0 =	simm.s32 @p1 $0x1  }
0x15: {  	[smem:$0x3FB0] =	sst s0;
	s0 =	simm.s32 @!p2 $0x0  }
0x16: {  	s3 =	sld [smem:$0x3FDB];
	s0 =	simm.s32 @p2 $0x1  }
0x17: {  	s4 =	simm.s32 $0x1BF5;
	[smem:$0x3FB2] =	sst s0  }
0x18: {  	s0 =	sld [smem:$0x3F95];
	_ =	swait.ge [sflag:s4], $0x0  }
0x19: {  	s7 =	sld [smem:$0x3F96]  }
0x1a: {  	s8 =	sadd.s32 $0xFFFFE003, lr  }
0x1b: {  	s9 =	sadd.s32 $0xFFFFFEF7, lr;
	s5 =	simm.s32 $0xFFFFFFFF;
	p2 =	slt.u32 s8, $0xFFFFF086  }
0x1c: {  	p1 =	slt.u32 s9, $0xF7A;
	s5 =	simm.s32 @!p2 $0x0  }
0x1d: {  	s5 =	simm.s32 @p1 $0x1;
	p0 =	seq.s32 s7, s2  }
0x1e: {  	s7 =	smul.u32 @!p0 $0xF7A, s2;
	p2 =	seq.s32 @!p0 s5, $0x0  }
0x1f: {  	s9 =	smul.u32 $0xF7A, s1;
	s8 =	simm.s32 @!p0 $0x1BF5;
	p2 =	por !p2, p0  }
0x20: {  	[sflag:s8] =	ssyncset.s32 @!p0 $0xFFFFF086;
	s6 =	sadd.s32 @!p0 s3, s7;
	s7 =	simm.s32 @!p0 $0x108  }
0x21: {  	s3 =	sadd.s32 s3, s9;
	s6 =	sadd.s32 @!p0 $0x88, s6;
	s7 =	simm.s32 @p2 $0x1082  }
0x22: {  	[simem:s7], [sflag:s8] =	dma.local @!p0 [hbm:s6], $0xF7A  }
0x23: {  	s9 =	sor.u32 $0xD0000000, s2;
	s6 =	simm.s32 $0x108;
	_ =	swait.ge @!p0 [sflag:s8], $0x0  }
0x24: {  	s3 =	sadd.s32 $0x88, s3;
	s6 =	simm.s32 @!p1 $0x1082;
	[sflag:s4] =	ssyncset.s32 $0xFFFFF086  }
0x25: {  	[simem:s6], [sflag:s4] =	dma.local [hbm:s3], $0xF7A  }
0x26: {  	[smem:$0x3F96] =	sst s1;
	(tag) =	ssettag s2;
	_ =	strace s9  }
0x27: {  	s1 =	sld [smem:$0x3FA6]  }
0x28: {  	s2 =	sld [smem:$0x3FA7]  }
0x29: {  	s4 =	sld [smem:$0x3FA9]  }
0x2a: {  	p0 =	seq.s32 s5, $0x0;
	s5 =	sld [smem:$0x3FAA]  }
0x2b: {  	s6 =	sld [smem:$0x3FAB]  }
0x2c: {  	s7 =	sld [smem:$0x3FAC]  }
0x2d: {  	s3 =	simm.s32 $0x108;
	s8 =	sld [smem:$0x3FAD]  }
0x2e: {  	s3 =	simm.s32 @!p0 $0x1082;
	s9 =	sld [smem:$0x3FAE]  }
0x2f: {  	lr =	sadd.s32 s0, s3;
	s0 =	sld [smem:$0x3FA5]  }
0x30: {  	s3 =	sld [smem:$0x3FA8]  }
0x31: {  	[smem:$0x3FB1] =	sst s10  }
0x32: {  	s10 =	sld [smem:$0x3FAF];
	_ =	sdelay $0x3  }
0x33: {  	p0 =	seq.s32 s10, $0x1;
	s10 =	sld [smem:$0x3FB1];
	_ =	sdelay $0x3  }
0x34: {  	[smem:$0x3FB1] =	sst s10  }
0x35: {  	s10 =	sld [smem:$0x3FB0];
	_ =	sdelay $0x3  }
0x36: {  	p1 =	seq.s32 s10, $0x1;
	s10 =	sld [smem:$0x3FB1];
	_ =	sdelay $0x3  }
0x37: {  	[smem:$0x3FB1] =	sst s10  }
0x38: {  	s10 =	sld [smem:$0x3FB2]  }
0x39: {  	_ = 	snop;
	(pc) =	sbr.ind lr, $3  }
0x3a: {  	_ = 	snop  }
0x3b: {  	_ = 	snop  }
0x3c: {  	p2 =	seq.s32 s10, $0x1;
	s10 =	sld [smem:$0x3FB1]  }
0x3d: {  	_ =	shalt  }
0x3e: {  	_ =	shalt  }
0x3f: {  	_ =	shalt  }
0x40: {  	_ =	shalt  }
0x41: {  	_ =	shalt  }
0x42: {  	_ =	shalt  }
0x43: {  	_ =	shalt  }
0x44: {  	_ =	shalt  }
0x45: {  	_ =	shalt  }
0x46: {  	_ =	shalt  }
0x47: {  	_ =	shalt  }
0x48: {  	_ =	shalt  }
0x49: {  	_ =	shalt  }
0x4a: {  	_ =	shalt  }
0x4b: {  	_ =	shalt  }
0x4c: {  	_ =	shalt  }
0x4d: {  	_ =	shalt  }
0x4e: {  	_ =	shalt  }
0x4f: {  	_ =	shalt  }
0x50: {  	_ =	shalt  }
0x51: {  	_ =	shalt  }
0x52: {  	_ =	shalt  }
0x53: {  	_ =	shalt  }
0x54: {  	_ =	shalt  }
0x55: {  	_ =	shalt  }
0x56: {  	_ =	shalt  }
0x57: {  	_ =	shalt  }
0x58: {  	_ =	shalt  }
0x59: {  	_ =	shalt  }
0x5a: {  	_ =	shalt  }
0x5b: {  	_ =	shalt  }
0x5c: {  	_ =	shalt  }
0x5d: {  	_ =	shalt  }
0x5e: {  	_ =	shalt  }
0x5f: {  	_ =	shalt  }
0x60: {  	_ =	shalt  }
0x61: {  	_ =	shalt  }
0x62: {  	_ =	shalt  }
0x63: {  	_ =	shalt  }
0x64: {  	_ =	shalt  }
0x65: {  	_ =	shalt  }
0x66: {  	_ =	shalt  }
0x67: {  	_ =	shalt  }
0x68: {  	_ =	shalt  }
0x69: {  	_ =	shalt  }
0x6a: {  	_ =	shalt  }
0x6b: {  	_ =	shalt  }
0x6c: {  	_ =	shalt  }
0x6d: {  	_ =	shalt  }
0x6e: {  	_ =	shalt  }
0x6f: {  	_ =	shalt  }
0x70: {  	_ =	shalt  }
0x71: {  	_ =	shalt  }
0x72: {  	_ =	shalt  }
0x73: {  	_ =	shalt  }
0x74: {  	_ =	shalt  }
0x75: {  	_ =	shalt  }
0x76: {  	_ =	shalt  }
0x77: {  	_ =	shalt  }
0x78: {  	_ =	shalt  }
0x79: {  	_ =	shalt  }
0x7a: {  	_ =	shalt  }
0x7b: {  	_ =	shalt  }
0x7c: {  	_ =	shalt  }
0x7d: {  	_ =	shalt  }
0x7e: {  	_ =	shalt  }
0x7f: {  	_ =	shalt  }
0x80: {  	_ =	shalt  }
0x81: {  	_ =	shalt  }
0x82: {  	_ =	shalt  }
0x83: {  	_ =	shalt  }
0x84: {  	_ =	shalt  }
0x85: {  	_ =	shalt  }
0x86: {  	_ =	shalt  }
0x87: {  	_ =	shalt  }
.Lfunc_end0:
.L_simem_size_0:
called_computation_lowered:
.L_overlay_start_0:
0x88: {  	s2 =	sld [smem:$0x3FD9]  }
0x89: {  	s3 =	sld [smem:$0x3FFE];
	_ =	sdelay $0x1  }
0x8a: {  	s1 =	srdreg.scid  }
0x8b: {  	s0 =	sand.u32 $0x1, s1  }
0x8c: {  	s17 =	sshll.u32 s0, $0xA;
	s2 =	sadd.s32 s3, s2  }
0x8d: {  	s2 =	sadd.s32 s2, s17  }
0x8e: {  	[smem:$0x3FBD] =	sst s2  }
0x8f: {  	_ = 	snop  }
0x90: {  	s18 =	sld [smem:$0x3FC9]  }
0x91: {  	s4 =	sld [smem:$0x3FC1];
	(tm) =	ssettm $0x1  }
0x92: {  	s19 =	sld [smem:$0x3FFB];
	_ =	sdelay $0x3  }
0x93: {  	_ =	strace s19  }
0x94: {  	s2 =	sld [smem:$0x3FFC];
	_ =	sdelay $0x3  }
0x95: {  	_ =	strace s2  }
0x96: {  	s2 =	sld [smem:$0x3FFD];
	_ =	sdelay $0x3  }
0x97: {  	_ =	strace s2  }
0x98: {  	_ =	strace $0x8FFFFFFF  }
0x99: {  	s20 =	sld [smem:$0x3FDB];
	_ =	sdelay $0x1  }
0x9a: {  	s5 =	simm.s32 $_scs_section_size  }
0x9b: {  	s6 =	simm.s32 $_size__tile_overlayer_lowered;
	s7 =	simm.s32 $_tile_overlayer_lowered  }
0x9c: {  	s8 =	simm.s32 $0x1BFF;
	s21 =	sshll.u32 s7, $0x1;
	s5 =	sadd.s32 s5, s20  }
0x9d: {  	s22 =	simm.s32 $0x0;
	s6 =	sshll.u32 s6, $0x1;
	s7 =	sadd.s32 s21, s5  }
0x9e: {  	[timem:s22], [sflag:s8] =	dma.local [hbm:s7], s6  }
0x9f: {  	_ =	swait.ge [sflag:s8], s6  }
0xa0: {  	s6 =	ssub.s32 $0x0, s6;
	[sflag:s8] =	ssyncset.done $0x0  }
0xa1: {  	[sflag:s8] =	ssyncadd.s32 s6;
	_ =	sdelay $0x1  }
0xa2: {  	s23 =	simm.s32 $0x1B8B  }
0xa3: {  	_ =	swait.ge [sflag:s23], $0x1  }
0xa4: {  	[sflag:s23] =	ssyncset.done $0x0  }
0xa5: {  	[sflag:s23] =	ssyncadd.s32 $0xFFFFFFFF  }
0xa6: {  	s6 =	sld [smem:$0x0]  }
0xa7: {  	s7 =	sand.u32 $0xFFFFFFFE, s1  }
0xa8: {  	p0 =	sne.s32 s1, s7  }
0xa9: {  	s7 =	sshll.u32 @p0 s7, $0xE  }
0xaa: {  	s7 =	sadd.s32 @p0 $0x11B8D, s7;
	s8 =	sshll.u32 @p0 s6, $0x11  }
0xab: {  	s7 =	sor.u32 @p0 s8, s7  }
0xac: {  	[sflag:s7] =	ssyncadd.remote.s32 @p0 $0x1;
	_ =	sdelay $0x1  }
0xad: {  	s7 =	simm.s32 @p0 $0x1B8D  }
0xae: {  	_ =	swait.eq @p0 [sflag:s7], $0x1  }
0xaf: {  	[sflag:s7] =	ssyncadd.s32 @p0 $0xFFFFFFFF  }
0xb0: {  	s8 =	sshll.u32 @!p0 s1, $0xE  }
0xb1: {  	s8 =	sor.u32 @!p0 $0x4000, s8;
	s7 =	simm.s32 @!p0 $0x1B8D  }
0xb2: {  	s6 =	sshll.u32 @!p0 s6, $0x11;
	s8 =	sadd.s32 @!p0 $0x11B8D, s8;
	_ =	swait.eq @!p0 [sflag:s7], $0x1  }
0xb3: {  	s6 =	sor.u32 @!p0 s6, s8;
	[sflag:s7] =	ssyncadd.s32 @!p0 $0xFFFFFFFF  }
0xb4: {  	s25 =	simm.s32 $0x1B8E;
	s24 =	sld [smem:$0x3FFE];
	[sflag:s6] =	ssyncadd.remote.s32 @!p0 $0x1  }
0xb5: {  	s26 =	simm.s32 $execute0_lowered;
	[smem:$0x3FD2] =	sst s25  }
0xb6: {  	s7 =	sshll.u32 s26, $0x1;
	_ =	strace $0x80000049;
	[dreg:$0x1] =	wrdreg $0xFFFFFFFF  }
0xb7: {  	s28 =	simm.s32 $_size_execute0_lowered;
	s5 =	sadd.s32 s5, s7;
	[dreg:$0x0] =	wrdreg $0x0  }
0xb8: {  	s7 =	sshll.u32 s28, $0x1;
	[dreg:$0x2] =	wrdreg s5  }
0xb9: {  	[dreg:$0x3] =	wrdreg s7  }
0xba: {  	[dreg:$0x4] =	wrdreg $0xC0  }
0xbb: {  	_ =	task [dreg:s22], $0x5FFFF  }
0xbc: {  	[dreg:$0x1] =	wrdreg $0xFFFFFFFF  }
0xbd: {  	[dreg:$0x0] =	wrdreg $0x60  }
0xbe: {  	[dreg:$0x2] =	wrdreg s4  }
0xbf: {  	[dreg:$0x3] =	wrdreg s18  }
0xc0: {  	[dreg:$0x4] =	wrdreg s24  }
0xc1: {  	[dreg:$0x5] =	wrdreg $0x9  }
0xc2: {  	_ =	task.clear_ibuf [dreg:s22], $0x6FFFF;
	_ =	strace $0x90000049  }
0xc3: {  	s29 =	simm.s32 $0x9;
	_ =	strace $0x8000004B  }
0xc4: {  	_ =	swait.ge [sflag:s29], $0x1  }
0xc5: {  	[sflag:s29] =	ssyncadd.s32 $0xFFFFFFFF  }
0xc6: {  	_ =	strace $0x9000004B  }
0xc7: {  	_ =	sfence  }
0xc8: {  	s30 =	sld [smem:$0x0];
	_ =	sdelay $0x2  }
0xc9: {  	s31 =	sshll.u32 s1, $0xD;
	s1 =	sshrl.u32 s1, $0x2  }
0xca: {  	s4 =	sand.u32 $0x4000, s31;
	s1 =	sadd.s32 s1, s30  }
0xcb: {  	s0 =	sor.u32 s4, s0;
	s1 =	sshll.u32 s1, $0x11  }
0xcc: {  	s0 =	sor.u32 s1, s0  }
0xcd: {  	s0 =	sadd.s32 $0x8F2B, s0  }
0xce: {  	[sflag:s0] =	ssyncadd.remote.s32 $0x1  }
0xcf: {  	_ =	sfence.sel $0xFFFF  }
0xd0: {  	[dreg:$0x0] =	wrdreg $0xFFFFFFFF;
	(pc) =	sbr.abs _section_cstart, $3  }
0xd1: {  	[dreg:$0x1] =	wrdreg $0xFFFFFFFF  }
0xd2: {  	_ =	task.clear_ibuf [dreg:s22], $0x2FFFF;
	_ =	strace $0x9FFFFFFF  }
0xd3: {  	(tm) =	ssettm $0x7FFFFFFF  }
tec
execute0_lowered:
.L_overlay_start_1:
0x0: {  	(tag) =	ssettag $0x1  }
0x1: {  	s0 =	srdreg.scid  }
0x2: {  	s1 =	rddreg [dreg:$0x0];
	s3 =	stileid.u32;
	s0 =	sand.u32 $0x1, s0  }
0x3: {  	s2 =	rddreg [dreg:$0x1];
	s5 =	sshll.u32 s3, $0x9;
	s6 =	sshll.u32 s0, $0x8  }
0x4: {  	s4 =	rddreg [dreg:$0x2];
	s5 =	sor.u32 s6, s5  }
0x5: {  	s3 =	simm.s32 $0x0;
	s6 =	sshll.u32 s5, $0x8;
	s5 =	sshrl.u32 s5, $0x3  }
0x6: {  	[smem:$0x7FF] =	sst s3;
	s11 =	sadd.s32 s6, s4;
	s2 =	sadd.s32 s2, s5  }
0x7: {  	_ =	strace $0x8000004A;
	[dreg:$0x4] =	wrdreg s2;
	s10 =	sadd.s32 $0x1600, s11  }
0x8: {  	s12 =	sadd.s32 $0x2600, s11;
	[dreg:$0x5] =	wrdreg s10  }
0x9: {  	s13 =	sadd.s32 $0x3600, s11;
	[dreg:$0x6] =	wrdreg s12  }
0xa: {  	s14 =	sadd.s32 $0x4600, s11;
	[dreg:$0x7] =	wrdreg s13  }
0xb: {  	s30 =	simm.s32 $0x8100;
	s15 =	sadd.s32 $0x5600, s11;
	[dreg:$0x8] =	wrdreg s14  }
0xc: {  	s28 =	simm.s32 $0x2;
	s16 =	sadd.s32 $0x6600, s11;
	[dreg:$0x9] =	wrdreg s15  }
0xd: {  	s29 =	simm.s32 $0x4;
	s17 =	sadd.s32 $0x7600, s11;
	[dreg:$0xa] =	wrdreg s16  }
0xe: {  	s7 =	sadd.s32 $0x400, s1;
	s19 =	sadd.s32 $0x8600, s11;
	[dreg:$0xb] =	wrdreg s17  }
0xf: {  	s8 =	sadd.s32 $0x500, s1;
	s20 =	sadd.s32 $0x9600, s11;
	[dreg:$0xc] =	wrdreg s19  }
0x10: {  	s9 =	sadd.s32 $0x600, s1;
	s21 =	sadd.s32 $0xA600, s11;
	[dreg:$0xd] =	wrdreg s20  }
0x11: {  	s0 =	ssub.s32 $0x2, s0;
	s22 =	sadd.s32 $0xB600, s11;
	[dreg:$0xe] =	wrdreg s21  }
0x12: {  	s18 =	sshrl.u32 s0, $0x1;
	s23 =	sadd.s32 $0xC600, s11;
	[dreg:$0xf] =	wrdreg s22  }
0x13: {  	s0 =	ssub.s32 s0, s18;
	s24 =	sadd.s32 $0xD600, s11;
	[dreg:$0x10] =	wrdreg s23  }
0x14: {  	s4 =	sadd.s32 $0x100, s1;
	s25 =	sadd.s32 $0xE600, s11;
	[dreg:$0x11] =	wrdreg s24  }
0x15: {  	s5 =	sadd.s32 $0x200, s1;
	s26 =	sadd.s32 $0xF600, s11;
	[dreg:$0x12] =	wrdreg s25  }
0x16: {  	v2 =	vlaneseq.u32;
	s6 =	sadd.s32 $0x300, s1;
	s31 =	sadd.s32 $0x10600, s11;
	[dreg:$0x13] =	wrdreg s26  }
0x17: {  	vm0 =	vmmov $0xffff;
	v1 =	vshrl.u32 v2, $0x3;
	s10 =	sadd.s32 $0x700, s1;
	[dreg:$0x14] =	wrdreg s31;
	s15 =	smax.u32 s0, $0x1  }
0x18: {  	v0 =	vand.u32 $0x7, v2;
	v2 =	vor.u32 $0x8, v2;
	v1 =	vmul.u32 $0x8, v1;
	s13 =	simm.s32 $0x100;
	s25 =	simm.s32 $0x1;
	s26 =	simm.s32 $0x3  }
.LBB2_1:
0x19: {  	s31 =	rddreg [dreg:$0x4];
	s20 =	simm.s32 $0x5  }
0x1a: {  	[tilespmem:s3], [sflag:$0x5] =	stream.linear.gather [hbm4b:s31+s3], $0x100, $0x38;
	[tilespmem:$0x10100] =	vst v63  }
0x1b: {  	_ =	swait.ge [sflag:s20], $0x100  }
0x1c: {  	[sflag:s20] =	ssyncset.done $0x0  }
0x1d: {  	[sflag:s20] =	ssyncadd.s32 $0xFFFFFF00  }
0x1e: {  	v3 =	vld [tilespmem:$0x0];
	_ =	sdelay $0x4  }
0x1f: {  	v4 =	vshll.u32 v3, $0x4  }
0x20: {  	v3 =	vand.u32 $0x7, v3;
	v4 =	vand.u32 $0xFFFFFF80, v4  }
0x21: {  	v3 =	vor.u32 v3, v4  }
0x22: {  	v4 =	vperm.xlane v3, v0;
	_ =	sdelay $0x1  }
0x23: {  	v4 =	vadd.s32 v1, v4;
	_ =	sdelay $0x4  }
0x24: {  	[tilespmem:s13], [sflag:$0x1] =	stream.indirect_vreg.gather [hbm4b:s1+s3], $0x80, v4, vm0, $0xb8;
	[tilespmem:$0x10100] =	vst v63  }
0x25: {  	s0 =	simm.s32 $0x900  }
0x26: {  	[tilespmem:s0], [sflag:$0x1] =	stream.indirect_vreg.gather [hbm4b:s4+s3], $0x80, v4, vm0, $0xb8;
	[tilespmem:$0x10100] =	vst v63  }
0x27: {  	s21 =	simm.s32 $0x1100  }
0x28: {  	[tilespmem:s21], [sflag:$0x1] =	stream.indirect_vreg.gather [hbm4b:s5+s3], $0x80, v4, vm0, $0xb8;
	[tilespmem:$0x10100] =	vst v63  }
0x29: {  	s22 =	simm.s32 $0x1900  }
0x2a: {  	[tilespmem:s22], [sflag:$0x1] =	stream.indirect_vreg.gather [hbm4b:s6+s3], $0x80, v4, vm0, $0xb8;
	[tilespmem:$0x10100] =	vst v63  }
0x2b: {  	s23 =	simm.s32 $0x2100  }
0x2c: {  	[tilespmem:s23], [sflag:$0x1] =	stream.indirect_vreg.gather [hbm4b:s7+s3], $0x80, v4, vm0, $0xb8;
	[tilespmem:$0x10100] =	vst v63  }
0x2d: {  	s24 =	simm.s32 $0x2900;
	v3 =	vperm.xlane v3, v2  }
0x2e: {  	[tilespmem:s24], [sflag:$0x1] =	stream.indirect_vreg.gather [hbm4b:s8+s3], $0x80, v4, vm0, $0xb8;
	[tilespmem:$0x10100] =	vst v63  }
0x2f: {  	s31 =	simm.s32 $0x3100;
	v3 =	vadd.s32 v1, v3  }
0x30: {  	[tilespmem:s31], [sflag:$0x1] =	stream.indirect_vreg.gather [hbm4b:s9+s3], $0x80, v4, vm0, $0xb8;
	[tilespmem:$0x10100] =	vst v63  }
0x31: {  	s2 =	simm.s32 $0x3900  }
0x32: {  	[tilespmem:s2], [sflag:$0x1] =	stream.indirect_vreg.gather [hbm4b:s10+s3], $0x80, v4, vm0, $0xb8;
	[tilespmem:$0x10100] =	vst v63  }
0x33: {  	s11 =	simm.s32 $0x4100  }
0x34: {  	[tilespmem:s11], [sflag:$0x1] =	stream.indirect_vreg.gather [hbm4b:s1+s3], $0x80, v3, vm0, $0xb8;
	[tilespmem:$0x10100] =	vst v63  }
0x35: {  	s14 =	simm.s32 $0x4900  }
0x36: {  	[tilespmem:s14], [sflag:$0x1] =	stream.indirect_vreg.gather [hbm4b:s4+s3], $0x80, v3, vm0, $0xb8;
	[tilespmem:$0x10100] =	vst v63  }
0x37: {  	s17 =	simm.s32 $0x5100  }
0x38: {  	[tilespmem:s17], [sflag:$0x1] =	stream.indirect_vreg.gather [hbm4b:s5+s3], $0x80, v3, vm0, $0xb8;
	[tilespmem:$0x10100] =	vst v63  }
0x39: {  	s18 =	simm.s32 $0x5900  }
0x3a: {  	[tilespmem:s18], [sflag:$0x1] =	stream.indirect_vreg.gather [hbm4b:s6+s3], $0x80, v3, vm0, $0xb8;
	[tilespmem:$0x10100] =	vst v63  }
0x3b: {  	s19 =	simm.s32 $0x6100  }
0x3c: {  	[tilespmem:s19], [sflag:$0x1] =	stream.indirect_vreg.gather [hbm4b:s7+s3], $0x80, v3, vm0, $0xb8;
	[tilespmem:$0x10100] =	vst v63  }
0x3d: {  	s20 =	simm.s32 $0x6900  }
0x3e: {  	[tilespmem:s20], [sflag:$0x1] =	stream.indirect_vreg.gather [hbm4b:s8+s3], $0x80, v3, vm0, $0xb8;
	[tilespmem:$0x10100] =	vst v63  }
0x3f: {  	s21 =	simm.s32 $0x7100  }
0x40: {  	[tilespmem:s21], [sflag:$0x1] =	stream.indirect_vreg.gather [hbm4b:s9+s3], $0x80, v3, vm0, $0xb8;
	[tilespmem:$0x10100] =	vst v63  }
0x41: {  	s22 =	simm.s32 $0x7900  }
0x42: {  	[tilespmem:s22], [sflag:$0x1] =	stream.indirect_vreg.gather [hbm4b:s10+s3], $0x80, v3, vm0, $0xb8;
	[tilespmem:$0x10100] =	vst v63  }
0x43: {  	v3 =	vld [tilespmem:$0x10];
	_ =	sdelay $0x4  }
0x44: {  	v49 =	vshll.u32 v3, $0x4  }
0x45: {  	v3 =	vand.u32 $0x7, v3;
	v4 =	vand.u32 $0xFFFFFF80, v49  }
0x46: {  	v3 =	vor.u32 v3, v4  }
0x47: {  	v4 =	vperm.xlane v3, v0;
	_ =	sdelay $0x1  }
0x48: {  	v4 =	vadd.s32 v1, v4;
	_ =	sdelay $0x4  }
0x49: {  	[tilespmem:s30], [sflag:$0x2] =	stream.indirect_vreg.gather [hbm4b:s1+s3], $0x80, v4, vm0, $0xb8;
	[tilespmem:$0x10100] =	vst v63  }
0x4a: {  	s23 =	simm.s32 $0x8900  }
0x4b: {  	[tilespmem:s23], [sflag:$0x2] =	stream.indirect_vreg.gather [hbm4b:s4+s3], $0x80, v4, vm0, $0xb8;
	[tilespmem:$0x10100] =	vst v63  }
0x4c: {  	s24 =	simm.s32 $0x9100  }
0x4d: {  	[tilespmem:s24], [sflag:$0x2] =	stream.indirect_vreg.gather [hbm4b:s5+s3], $0x80, v4, vm0, $0xb8;
	[tilespmem:$0x10100] =	vst v63  }
0x4e: {  	s0 =	simm.s32 $0x9900  }
0x4f: {  	[tilespmem:s0], [sflag:$0x2] =	stream.indirect_vreg.gather [hbm4b:s6+s3], $0x80, v4, vm0, $0xb8;
	[tilespmem:$0x10100] =	vst v63  }
0x50: {  	s2 =	simm.s32 $0xA100  }
0x51: {  	[tilespmem:s2], [sflag:$0x2] =	stream.indirect_vreg.gather [hbm4b:s7+s3], $0x80, v4, vm0, $0xb8;
	[tilespmem:$0x10100] =	vst v63  }
0x52: {  	s11 =	simm.s32 $0xA900;
	v3 =	vperm.xlane v3, v2  }
0x53: {  	[tilespmem:s11], [sflag:$0x2] =	stream.indirect_vreg.gather [hbm4b:s8+s3], $0x80, v4, vm0, $0xb8;
	[tilespmem:$0x10100] =	vst v63  }
0x54: {  	s17 =	simm.s32 $0xB100;
	v3 =	vadd.s32 v1, v3  }
0x55: {  	[tilespmem:s17], [sflag:$0x2] =	stream.indirect_vreg.gather [hbm4b:s9+s3], $0x80, v4, vm0, $0xb8;
	[tilespmem:$0x10100] =	vst v63  }
0x56: {  	s18 =	simm.s32 $0xB900  }
0x57: {  	[tilespmem:s18], [sflag:$0x2] =	stream.indirect_vreg.gather [hbm4b:s10+s3], $0x80, v4, vm0, $0xb8;
	[tilespmem:$0x10100] =	vst v63  }
0x58: {  	s19 =	simm.s32 $0xC100  }
0x59: {  	[tilespmem:s19], [sflag:$0x2] =	stream.indirect_vreg.gather [hbm4b:s1+s3], $0x80, v3, vm0, $0xb8;
	[tilespmem:$0x10100] =	vst v63  }
0x5a: {  	s20 =	simm.s32 $0xC900  }
0x5b: {  	[tilespmem:s20], [sflag:$0x2] =	stream.indirect_vreg.gather [hbm4b:s4+s3], $0x80, v3, vm0, $0xb8;
	[tilespmem:$0x10100] =	vst v63  }
0x5c: {  	s21 =	simm.s32 $0xD100  }
0x5d: {  	[tilespmem:s21], [sflag:$0x2] =	stream.indirect_vreg.gather [hbm4b:s5+s3], $0x80, v3, vm0, $0xb8;
	[tilespmem:$0x10100] =	vst v63  }
0x5e: {  	s22 =	simm.s32 $0xD900  }
0x5f: {  	[tilespmem:s22], [sflag:$0x2] =	stream.indirect_vreg.gather [hbm4b:s6+s3], $0x80, v3, vm0, $0xb8;
	[tilespmem:$0x10100] =	vst v63  }
0x60: {  	s23 =	simm.s32 $0xE100  }
0x61: {  	[tilespmem:s23], [sflag:$0x2] =	stream.indirect_vreg.gather [hbm4b:s7+s3], $0x80, v3, vm0, $0xb8;
	[tilespmem:$0x10100] =	vst v63  }
0x62: {  	s24 =	simm.s32 $0xE900  }
0x63: {  	[tilespmem:s24], [sflag:$0x2] =	stream.indirect_vreg.gather [hbm4b:s8+s3], $0x80, v3, vm0, $0xb8;
	[tilespmem:$0x10100] =	vst v63  }
0x64: {  	s0 =	simm.s32 $0xF100  }
0x65: {  	[tilespmem:s0], [sflag:$0x2] =	stream.indirect_vreg.gather [hbm4b:s9+s3], $0x80, v3, vm0, $0xb8;
	[tilespmem:$0x10100] =	vst v63  }
0x66: {  	s2 =	simm.s32 $0xF900  }
0x67: {  	[tilespmem:s2], [sflag:$0x2] =	stream.indirect_vreg.gather [hbm4b:s10+s3], $0x80, v3, vm0, $0xb8;
	[tilespmem:$0x10100] =	vst v63  }
0x68: {  	_ =	swait.ge [sflag:s25], $0x8000  }
0x69: {  	[sflag:s25] =	ssyncset.done $0x0  }
0x6a: {  	s11 =	rddreg [dreg:$0x5];
	[sflag:s25] =	ssyncadd.s32 $0xFFFF8000  }
0x6b: {  	[hbm4b:s11+s3] =	stream.linear.scatter [tilespmem:s13], [sflag:$0x3], $0x8000, $0x38;
	[tilespmem:$0x10100] =	vst v63  }
0x6c: {  	_ =	swait.ge [sflag:s26], $0x8000  }
0x6d: {  	[sflag:s26] =	ssyncset.done $0x0  }
0x6e: {  	[sflag:s26] =	ssyncadd.s32 $0xFFFF8000  }
0x6f: {  	v3 =	vld [tilespmem:$0x20];
	_ =	sdelay $0x4  }
0x70: {  	v50 =	vshll.u32 v3, $0x4  }
0x71: {  	v3 =	vand.u32 $0x7, v3;
	v4 =	vand.u32 $0xFFFFFF80, v50  }
0x72: {  	v3 =	vor.u32 v3, v4  }
0x73: {  	v4 =	vperm.xlane v3, v0;
	_ =	sdelay $0x1  }
0x74: {  	v4 =	vadd.s32 v1, v4;
	_ =	sdelay $0x4  }
0x75: {  	[tilespmem:s13], [sflag:$0x1] =	stream.indirect_vreg.gather [hbm4b:s1+s3], $0x80, v4, vm0, $0xb8;
	[tilespmem:$0x10100] =	vst v63  }
0x76: {  	s0 =	simm.s32 $0x900  }
0x77: {  	[tilespmem:s0], [sflag:$0x1] =	stream.indirect_vreg.gather [hbm4b:s4+s3], $0x80, v4, vm0, $0xb8;
	[tilespmem:$0x10100] =	vst v63  }
0x78: {  	s2 =	simm.s32 $0x1100  }
0x79: {  	[tilespmem:s2], [sflag:$0x1] =	stream.indirect_vreg.gather [hbm4b:s5+s3], $0x80, v4, vm0, $0xb8;
	[tilespmem:$0x10100] =	vst v63  }
0x7a: {  	s11 =	simm.s32 $0x1900  }
0x7b: {  	[tilespmem:s11], [sflag:$0x1] =	stream.indirect_vreg.gather [hbm4b:s6+s3], $0x80, v4, vm0, $0xb8;
	[tilespmem:$0x10100] =	vst v63  }
0x7c: {  	s12 =	simm.s32 $0x2100  }
0x7d: {  	[tilespmem:s12], [sflag:$0x1] =	stream.indirect_vreg.gather [hbm4b:s7+s3], $0x80, v4, vm0, $0xb8;
	[tilespmem:$0x10100] =	vst v63  }
0x7e: {  	s16 =	simm.s32 $0x2900;
	v3 =	vperm.xlane v3, v2  }
0x7f: {  	[tilespmem:s16], [sflag:$0x1] =	stream.indirect_vreg.gather [hbm4b:s8+s3], $0x80, v4, vm0, $0xb8;
	[tilespmem:$0x10100] =	vst v63  }
0x80: {  	v3 =	vadd.s32 v1, v3;
	s12 =	simm.s32 $0x3100  }
0x81: {  	[tilespmem:s12], [sflag:$0x1] =	stream.indirect_vreg.gather [hbm4b:s9+s3], $0x80, v4, vm0, $0xb8;
	[tilespmem:$0x10100] =	vst v63  }
0x82: {  	s16 =	simm.s32 $0x3900  }
0x83: {  	[tilespmem:s16], [sflag:$0x1] =	stream.indirect_vreg.gather [hbm4b:s10+s3], $0x80, v4, vm0, $0xb8;
	[tilespmem:$0x10100] =	vst v63  }
0x84: {  	s18 =	simm.s32 $0x4100  }
0x85: {  	[tilespmem:s18], [sflag:$0x1] =	stream.indirect_vreg.gather [hbm4b:s1+s3], $0x80, v3, vm0, $0xb8;
	[tilespmem:$0x10100] =	vst v63  }
0x86: {  	s19 =	simm.s32 $0x4900  }
0x87: {  	[tilespmem:s19], [sflag:$0x1] =	stream.indirect_vreg.gather [hbm4b:s4+s3], $0x80, v3, vm0, $0xb8;
	[tilespmem:$0x10100] =	vst v63  }
0x88: {  	s20 =	simm.s32 $0x5100  }
0x89: {  	[tilespmem:s20], [sflag:$0x1] =	stream.indirect_vreg.gather [hbm4b:s5+s3], $0x80, v3, vm0, $0xb8;
	[tilespmem:$0x10100] =	vst v63  }
0x8a: {  	s21 =	simm.s32 $0x5900  }
0x8b: {  	[tilespmem:s21], [sflag:$0x1] =	stream.indirect_vreg.gather [hbm4b:s6+s3], $0x80, v3, vm0, $0xb8;
	[tilespmem:$0x10100] =	vst v63  }
0x8c: {  	s22 =	simm.s32 $0x6100  }
0x8d: {  	[tilespmem:s22], [sflag:$0x1] =	stream.indirect_vreg.gather [hbm4b:s7+s3], $0x80, v3, vm0, $0xb8;
	[tilespmem:$0x10100] =	vst v63  }
0x8e: {  	s23 =	simm.s32 $0x6900  }
0x8f: {  	[tilespmem:s23], [sflag:$0x1] =	stream.indirect_vreg.gather [hbm4b:s8+s3], $0x80, v3, vm0, $0xb8;
	[tilespmem:$0x10100] =	vst v63  }
0x90: {  	s24 =	simm.s32 $0x7100  }
0x91: {  	[tilespmem:s24], [sflag:$0x1] =	stream.indirect_vreg.gather [hbm4b:s9+s3], $0x80, v3, vm0, $0xb8;
	[tilespmem:$0x10100] =	vst v63  }
0x92: {  	s14 =	simm.s32 $0x7900  }
0x93: {  	[tilespmem:s14], [sflag:$0x1] =	stream.indirect_vreg.gather [hbm4b:s10+s3], $0x80, v3, vm0, $0xb8;
	[tilespmem:$0x10100] =	vst v63  }
0x94: {  	_ =	swait.ge [sflag:s28], $0x8000  }
0x95: {  	[sflag:s28] =	ssyncset.done $0x0  }
0x96: {  	s14 =	rddreg [dreg:$0x6];
	[sflag:s28] =	ssyncadd.s32 $0xFFFF8000  }
0x97: {  	[hbm4b:s14+s3] =	stream.linear.scatter [tilespmem:s30], [sflag:$0x4], $0x8000, $0x38;
	[tilespmem:$0x10100] =	vst v63  }
0x98: {  	_ =	swait.ge [sflag:s29], $0x8000  }
0x99: {  	[sflag:s29] =	ssyncset.done $0x0  }
0x9a: {  	[sflag:s29] =	ssyncadd.s32 $0xFFFF8000  }
0x9b: {  	v3 =	vld [tilespmem:$0x30];
	_ =	sdelay $0x4  }
0x9c: {  	v51 =	vshll.u32 v3, $0x4  }
0x9d: {  	v3 =	vand.u32 $0x7, v3;
	v4 =	vand.u32 $0xFFFFFF80, v51  }
0x9e: {  	v3 =	vor.u32 v3, v4  }
0x9f: {  	v4 =	vperm.xlane v3, v0;
	_ =	sdelay $0x1  }
0xa0: {  	v4 =	vadd.s32 v1, v4;
	_ =	sdelay $0x4  }
0xa1: {  	[tilespmem:s30], [sflag:$0x2] =	stream.indirect_vreg.gather [hbm4b:s1+s3], $0x80, v4, vm0, $0xb8;
	[tilespmem:$0x10100] =	vst v63  }
0xa2: {  	s31 =	simm.s32 $0x8900  }
0xa3: {  	[tilespmem:s31], [sflag:$0x2] =	stream.indirect_vreg.gather [hbm4b:s4+s3], $0x80, v4, vm0, $0xb8;
	[tilespmem:$0x10100] =	vst v63  }
0xa4: {  	s31 =	simm.s32 $0x9100  }
0xa5: {  	[tilespmem:s31], [sflag:$0x2] =	stream.indirect_vreg.gather [hbm4b:s5+s3], $0x80, v4, vm0, $0xb8;
	[tilespmem:$0x10100] =	vst v63  }
0xa6: {  	s31 =	simm.s32 $0x9900  }
0xa7: {  	[tilespmem:s31], [sflag:$0x2] =	stream.indirect_vreg.gather [hbm4b:s6+s3], $0x80, v4, vm0, $0xb8;
	[tilespmem:$0x10100] =	vst v63  }
0xa8: {  	s31 =	simm.s32 $0xA100  }
0xa9: {  	[tilespmem:s31], [sflag:$0x2] =	stream.indirect_vreg.gather [hbm4b:s7+s3], $0x80, v4, vm0, $0xb8;
	[tilespmem:$0x10100] =	vst v63  }
0xaa: {  	v3 =	vperm.xlane v3, v2;
	s31 =	simm.s32 $0xA900  }
0xab: {  	[tilespmem:s31], [sflag:$0x2] =	stream.indirect_vreg.gather [hbm4b:s8+s3], $0x80, v4, vm0, $0xb8;
	[tilespmem:$0x10100] =	vst v63  }
0xac: {  	v3 =	vadd.s32 v1, v3;
	s31 =	simm.s32 $0xB100  }
0xad: {  	[tilespmem:s31], [sflag:$0x2] =	stream.indirect_vreg.gather [hbm4b:s9+s3], $0x80, v4, vm0, $0xb8;
	[tilespmem:$0x10100] =	vst v63  }
0xae: {  	s31 =	simm.s32 $0xB900  }
0xaf: {  	[tilespmem:s31], [sflag:$0x2] =	stream.indirect_vreg.gather [hbm4b:s10+s3], $0x80, v4, vm0, $0xb8;
	[tilespmem:$0x10100] =	vst v63  }
0xb0: {  	s31 =	simm.s32 $0xC100  }
0xb1: {  	[tilespmem:s31], [sflag:$0x2] =	stream.indirect_vreg.gather [hbm4b:s1+s3], $0x80, v3, vm0, $0xb8;
	[tilespmem:$0x10100] =	vst v63  }
0xb2: {  	s31 =	simm.s32 $0xC900  }
0xb3: {  	[tilespmem:s31], [sflag:$0x2] =	stream.indirect_vreg.gather [hbm4b:s4+s3], $0x80, v3, vm0, $0xb8;
	[tilespmem:$0x10100] =	vst v63  }
0xb4: {  	s31 =	simm.s32 $0xD100  }
0xb5: {  	[tilespmem:s31], [sflag:$0x2] =	stream.indirect_vreg.gather [hbm4b:s5+s3], $0x80, v3, vm0, $0xb8;
	[tilespmem:$0x10100] =	vst v63  }
0xb6: {  	s31 =	simm.s32 $0xD900  }
0xb7: {  	[tilespmem:s31], [sflag:$0x2] =	stream.indirect_vreg.gather [hbm4b:s6+s3], $0x80, v3, vm0, $0xb8;
	[tilespmem:$0x10100] =	vst v63  }
0xb8: {  	s31 =	simm.s32 $0xE100  }
0xb9: {  	[tilespmem:s31], [sflag:$0x2] =	stream.indirect_vreg.gather [hbm4b:s7+s3], $0x80, v3, vm0, $0xb8;
	[tilespmem:$0x10100] =	vst v63  }
0xba: {  	s31 =	simm.s32 $0xE900  }
0xbb: {  	[tilespmem:s31], [sflag:$0x2] =	stream.indirect_vreg.gather [hbm4b:s8+s3], $0x80, v3, vm0, $0xb8;
	[tilespmem:$0x10100] =	vst v63  }
0xbc: {  	s31 =	simm.s32 $0xF100  }
0xbd: {  	[tilespmem:s31], [sflag:$0x2] =	stream.indirect_vreg.gather [hbm4b:s9+s3], $0x80, v3, vm0, $0xb8;
	[tilespmem:$0x10100] =	vst v63  }
0xbe: {  	s17 =	simm.s32 $0xF900  }
0xbf: {  	[tilespmem:s17], [sflag:$0x2] =	stream.indirect_vreg.gather [hbm4b:s10+s3], $0x80, v3, vm0, $0xb8;
	[tilespmem:$0x10100] =	vst v63  }
0xc0: {  	_ =	swait.ge [sflag:s25], $0x8000  }
0xc1: {  	[sflag:s25] =	ssyncset.done $0x0  }
0xc2: {  	s31 =	rddreg [dreg:$0x7];
	[sflag:s25] =	ssyncadd.s32 $0xFFFF8000  }
0xc3: {  	[hbm4b:s31+s3] =	stream.linear.scatter [tilespmem:s13], [sflag:$0x3], $0x8000, $0x38;
	[tilespmem:$0x10100] =	vst v63  }
0xc4: {  	_ =	swait.ge [sflag:s26], $0x8000  }
0xc5: {  	[sflag:s26] =	ssyncset.done $0x0  }
0xc6: {  	[sflag:s26] =	ssyncadd.s32 $0xFFFF8000  }
0xc7: {  	v3 =	vld [tilespmem:$0x40];
	_ =	sdelay $0x4  }
0xc8: {  	v52 =	vshll.u32 v3, $0x4  }
0xc9: {  	v3 =	vand.u32 $0x7, v3;
	v4 =	vand.u32 $0xFFFFFF80, v52  }
0xca: {  	v3 =	vor.u32 v3, v4  }
0xcb: {  	v4 =	vperm.xlane v3, v0;
	_ =	sdelay $0x1  }
0xcc: {  	v4 =	vadd.s32 v1, v4;
	_ =	sdelay $0x4  }
0xcd: {  	[tilespmem:s13], [sflag:$0x1] =	stream.indirect_vreg.gather [hbm4b:s1+s3], $0x80, v4, vm0, $0xb8;
	[tilespmem:$0x10100] =	vst v63  }
0xce: {  	_ = 	snop  }
0xcf: {  	[tilespmem:s0], [sflag:$0x1] =	stream.indirect_vreg.gather [hbm4b:s4+s3], $0x80, v4, vm0, $0xb8;
	[tilespmem:$0x10100] =	vst v63  }
0xd0: {  	_ = 	snop  }
0xd1: {  	[tilespmem:s2], [sflag:$0x1] =	stream.indirect_vreg.gather [hbm4b:s5+s3], $0x80, v4, vm0, $0xb8;
	[tilespmem:$0x10100] =	vst v63  }
0xd2: {  	_ = 	snop  }
0xd3: {  	[tilespmem:s11], [sflag:$0x1] =	stream.indirect_vreg.gather [hbm4b:s6+s3], $0x80, v4, vm0, $0xb8;
	[tilespmem:$0x10100] =	vst v63  }
0xd4: {  	s31 =	simm.s32 $0x2100  }
0xd5: {  	[tilespmem:s31], [sflag:$0x1] =	stream.indirect_vreg.gather [hbm4b:s7+s3], $0x80, v4, vm0, $0xb8;
	[tilespmem:$0x10100] =	vst v63  }
0xd6: {  	v3 =	vperm.xlane v3, v2;
	s31 =	simm.s32 $0x2900  }
0xd7: {  	[tilespmem:s31], [sflag:$0x1] =	stream.indirect_vreg.gather [hbm4b:s8+s3], $0x80, v4, vm0, $0xb8;
	[tilespmem:$0x10100] =	vst v63  }
0xd8: {  	v3 =	vadd.s32 v1, v3  }
0xd9: {  	[tilespmem:s12], [sflag:$0x1] =	stream.indirect_vreg.gather [hbm4b:s9+s3], $0x80, v4, vm0, $0xb8;
	[tilespmem:$0x10100] =	vst v63  }
0xda: {  	_ = 	snop  }
0xdb: {  	[tilespmem:s16], [sflag:$0x1] =	stream.indirect_vreg.gather [hbm4b:s10+s3], $0x80, v4, vm0, $0xb8;
	[tilespmem:$0x10100] =	vst v63  }
0xdc: {  	_ = 	snop  }
0xdd: {  	[tilespmem:s18], [sflag:$0x1] =	stream.indirect_vreg.gather [hbm4b:s1+s3], $0x80, v3, vm0, $0xb8;
	[tilespmem:$0x10100] =	vst v63  }
0xde: {  	_ = 	snop  }
0xdf: {  	[tilespmem:s19], [sflag:$0x1] =	stream.indirect_vreg.gather [hbm4b:s4+s3], $0x80, v3, vm0, $0xb8;
	[tilespmem:$0x10100] =	vst v63  }
0xe0: {  	_ = 	snop  }
0xe1: {  	[tilespmem:s20], [sflag:$0x1] =	stream.indirect_vreg.gather [hbm4b:s5+s3], $0x80, v3, vm0, $0xb8;
	[tilespmem:$0x10100] =	vst v63  }
0xe2: {  	_ = 	snop  }
0xe3: {  	[tilespmem:s21], [sflag:$0x1] =	stream.indirect_vreg.gather [hbm4b:s6+s3], $0x80, v3, vm0, $0xb8;
	[tilespmem:$0x10100] =	vst v63  }
0xe4: {  	_ = 	snop  }
0xe5: {  	[tilespmem:s22], [sflag:$0x1] =	stream.indirect_vreg.gather [hbm4b:s7+s3], $0x80, v3, vm0, $0xb8;
	[tilespmem:$0x10100] =	vst v63  }
0xe6: {  	_ = 	snop  }
0xe7: {  	[tilespmem:s23], [sflag:$0x1] =	stream.indirect_vreg.gather [hbm4b:s8+s3], $0x80, v3, vm0, $0xb8;
	[tilespmem:$0x10100] =	vst v63  }
0xe8: {  	_ = 	snop  }
0xe9: {  	[tilespmem:s24], [sflag:$0x1] =	stream.indirect_vreg.gather [hbm4b:s9+s3], $0x80, v3, vm0, $0xb8;
	[tilespmem:$0x10100] =	vst v63  }
0xea: {  	s31 =	simm.s32 $0x7900  }
0xeb: {  	[tilespmem:s31], [sflag:$0x1] =	stream.indirect_vreg.gather [hbm4b:s10+s3], $0x80, v3, vm0, $0xb8;
	[tilespmem:$0x10100] =	vst v63  }
0xec: {  	_ =	swait.ge [sflag:s28], $0x8000  }
0xed: {  	[sflag:s28] =	ssyncset.done $0x0  }
0xee: {  	s31 =	rddreg [dreg:$0x8];
	[sflag:s28] =	ssyncadd.s32 $0xFFFF8000  }
0xef: {  	[hbm4b:s31+s3] =	stream.linear.scatter [tilespmem:s30], [sflag:$0x4], $0x8000, $0x38;
	[tilespmem:$0x10100] =	vst v63  }
0xf0: {  	_ =	swait.ge [sflag:s29], $0x8000  }
0xf1: {  	[sflag:s29] =	ssyncset.done $0x0  }
0xf2: {  	[sflag:s29] =	ssyncadd.s32 $0xFFFF8000  }
0xf3: {  	v3 =	vld [tilespmem:$0x50];
	_ =	sdelay $0x4  }
0xf4: {  	v53 =	vshll.u32 v3, $0x4  }
0xf5: {  	v3 =	vand.u32 $0x7, v3;
	v4 =	vand.u32 $0xFFFFFF80, v53  }
0xf6: {  	v3 =	vor.u32 v3, v4  }
0xf7: {  	v4 =	vperm.xlane v3, v0;
	_ =	sdelay $0x1  }
0xf8: {  	v4 =	vadd.s32 v1, v4;
	_ =	sdelay $0x4  }
0xf9: {  	[tilespmem:s30], [sflag:$0x2] =	stream.indirect_vreg.gather [hbm4b:s1+s3], $0x80, v4, vm0, $0xb8;
	[tilespmem:$0x10100] =	vst v63  }
0xfa: {  	s14 =	simm.s32 $0x8900  }
0xfb: {  	[tilespmem:s14], [sflag:$0x2] =	stream.indirect_vreg.gather [hbm4b:s4+s3], $0x80, v4, vm0, $0xb8;
	[tilespmem:$0x10100] =	vst v63  }
0xfc: {  	s31 =	simm.s32 $0x9100  }
0xfd: {  	[tilespmem:s31], [sflag:$0x2] =	stream.indirect_vreg.gather [hbm4b:s5+s3], $0x80, v4, vm0, $0xb8;
	[tilespmem:$0x10100] =	vst v63  }
0xfe: {  	s31 =	simm.s32 $0x9900  }
0xff: {  	[tilespmem:s31], [sflag:$0x2] =	stream.indirect_vreg.gather [hbm4b:s6+s3], $0x80, v4, vm0, $0xb8;
	[tilespmem:$0x10100] =	vst v63  }
0x100: {  	s31 =	simm.s32 $0xA100  }
0x101: {  	[tilespmem:s31], [sflag:$0x2] =	stream.indirect_vreg.gather [hbm4b:s7+s3], $0x80, v4, vm0, $0xb8;
	[tilespmem:$0x10100] =	vst v63  }
0x102: {  	v3 =	vperm.xlane v3, v2;
	s31 =	simm.s32 $0xA900  }
0x103: {  	[tilespmem:s31], [sflag:$0x2] =	stream.indirect_vreg.gather [hbm4b:s8+s3], $0x80, v4, vm0, $0xb8;
	[tilespmem:$0x10100] =	vst v63  }
0x104: {  	v3 =	vadd.s32 v1, v3;
	s31 =	simm.s32 $0xB100  }
0x105: {  	[tilespmem:s31], [sflag:$0x2] =	stream.indirect_vreg.gather [hbm4b:s9+s3], $0x80, v4, vm0, $0xb8;
	[tilespmem:$0x10100] =	vst v63  }
0x106: {  	s31 =	simm.s32 $0xB900  }
0x107: {  	[tilespmem:s31], [sflag:$0x2] =	stream.indirect_vreg.gather [hbm4b:s10+s3], $0x80, v4, vm0, $0xb8;
	[tilespmem:$0x10100] =	vst v63  }
0x108: {  	s31 =	simm.s32 $0xC100  }
0x109: {  	[tilespmem:s31], [sflag:$0x2] =	stream.indirect_vreg.gather [hbm4b:s1+s3], $0x80, v3, vm0, $0xb8;
	[tilespmem:$0x10100] =	vst v63  }
0x10a: {  	s31 =	simm.s32 $0xC900  }
0x10b: {  	[tilespmem:s31], [sflag:$0x2] =	stream.indirect_vreg.gather [hbm4b:s4+s3], $0x80, v3, vm0, $0xb8;
	[tilespmem:$0x10100] =	vst v63  }
0x10c: {  	s31 =	simm.s32 $0xD100  }
0x10d: {  	[tilespmem:s31], [sflag:$0x2] =	stream.indirect_vreg.gather [hbm4b:s5+s3], $0x80, v3, vm0, $0xb8;
	[tilespmem:$0x10100] =	vst v63  }
0x10e: {  	s31 =	simm.s32 $0xD900  }
0x10f: {  	[tilespmem:s31], [sflag:$0x2] =	stream.indirect_vreg.gather [hbm4b:s6+s3], $0x80, v3, vm0, $0xb8;
	[tilespmem:$0x10100] =	vst v63  }
0x110: {  	s31 =	simm.s32 $0xE100  }
0x111: {  	[tilespmem:s31], [sflag:$0x2] =	stream.indirect_vreg.gather [hbm4b:s7+s3], $0x80, v3, vm0, $0xb8;
	[tilespmem:$0x10100] =	vst v63  }
0x112: {  	s31 =	simm.s32 $0xE900  }
0x113: {  	[tilespmem:s31], [sflag:$0x2] =	stream.indirect_vreg.gather [hbm4b:s8+s3], $0x80, v3, vm0, $0xb8;
	[tilespmem:$0x10100] =	vst v63  }
0x114: {  	s31 =	simm.s32 $0xF100  }
0x115: {  	[tilespmem:s31], [sflag:$0x2] =	stream.indirect_vreg.gather [hbm4b:s9+s3], $0x80, v3, vm0, $0xb8;
	[tilespmem:$0x10100] =	vst v63  }
0x116: {  	s17 =	simm.s32 $0xF900  }
0x117: {  	[tilespmem:s17], [sflag:$0x2] =	stream.indirect_vreg.gather [hbm4b:s10+s3], $0x80, v3, vm0, $0xb8;
	[tilespmem:$0x10100] =	vst v63  }
0x118: {  	_ =	swait.ge [sflag:s25], $0x8000  }
0x119: {  	[sflag:s25] =	ssyncset.done $0x0  }
0x11a: {  	s31 =	rddreg [dreg:$0x9];
	[sflag:s25] =	ssyncadd.s32 $0xFFFF8000  }
0x11b: {  	[hbm4b:s31+s3] =	stream.linear.scatter [tilespmem:s13], [sflag:$0x3], $0x8000, $0x38;
	[tilespmem:$0x10100] =	vst v63  }
0x11c: {  	_ =	swait.ge [sflag:s26], $0x8000  }
0x11d: {  	[sflag:s26] =	ssyncset.done $0x0  }
0x11e: {  	[sflag:s26] =	ssyncadd.s32 $0xFFFF8000  }
0x11f: {  	v3 =	vld [tilespmem:$0x60];
	_ =	sdelay $0x4  }
0x120: {  	v54 =	vshll.u32 v3, $0x4  }
0x121: {  	v3 =	vand.u32 $0x7, v3;
	v4 =	vand.u32 $0xFFFFFF80, v54  }
0x122: {  	v3 =	vor.u32 v3, v4  }
0x123: {  	v4 =	vperm.xlane v3, v0;
	_ =	sdelay $0x1  }
0x124: {  	v4 =	vadd.s32 v1, v4;
	_ =	sdelay $0x4  }
0x125: {  	[tilespmem:s13], [sflag:$0x1] =	stream.indirect_vreg.gather [hbm4b:s1+s3], $0x80, v4, vm0, $0xb8;
	[tilespmem:$0x10100] =	vst v63  }
0x126: {  	s0 =	simm.s32 $0x900  }
0x127: {  	[tilespmem:s0], [sflag:$0x1] =	stream.indirect_vreg.gather [hbm4b:s4+s3], $0x80, v4, vm0, $0xb8;
	[tilespmem:$0x10100] =	vst v63  }
0x128: {  	s2 =	simm.s32 $0x1100  }
0x129: {  	[tilespmem:s2], [sflag:$0x1] =	stream.indirect_vreg.gather [hbm4b:s5+s3], $0x80, v4, vm0, $0xb8;
	[tilespmem:$0x10100] =	vst v63  }
0x12a: {  	s11 =	simm.s32 $0x1900  }
0x12b: {  	[tilespmem:s11], [sflag:$0x1] =	stream.indirect_vreg.gather [hbm4b:s6+s3], $0x80, v4, vm0, $0xb8;
	[tilespmem:$0x10100] =	vst v63  }
0x12c: {  	s31 =	simm.s32 $0x2100  }
0x12d: {  	[tilespmem:s31], [sflag:$0x1] =	stream.indirect_vreg.gather [hbm4b:s7+s3], $0x80, v4, vm0, $0xb8;
	[tilespmem:$0x10100] =	vst v63  }
0x12e: {  	v3 =	vperm.xlane v3, v2;
	s31 =	simm.s32 $0x2900  }
0x12f: {  	[tilespmem:s31], [sflag:$0x1] =	stream.indirect_vreg.gather [hbm4b:s8+s3], $0x80, v4, vm0, $0xb8;
	[tilespmem:$0x10100] =	vst v63  }
0x130: {  	s12 =	simm.s32 $0x3100;
	v3 =	vadd.s32 v1, v3  }
0x131: {  	[tilespmem:s12], [sflag:$0x1] =	stream.indirect_vreg.gather [hbm4b:s9+s3], $0x80, v4, vm0, $0xb8;
	[tilespmem:$0x10100] =	vst v63  }
0x132: {  	s16 =	simm.s32 $0x3900  }
0x133: {  	[tilespmem:s16], [sflag:$0x1] =	stream.indirect_vreg.gather [hbm4b:s10+s3], $0x80, v4, vm0, $0xb8;
	[tilespmem:$0x10100] =	vst v63  }
0x134: {  	s18 =	simm.s32 $0x4100  }
0x135: {  	[tilespmem:s18], [sflag:$0x1] =	stream.indirect_vreg.gather [hbm4b:s1+s3], $0x80, v3, vm0, $0xb8;
	[tilespmem:$0x10100] =	vst v63  }
0x136: {  	s19 =	simm.s32 $0x4900  }
0x137: {  	[tilespmem:s19], [sflag:$0x1] =	stream.indirect_vreg.gather [hbm4b:s4+s3], $0x80, v3, vm0, $0xb8;
	[tilespmem:$0x10100] =	vst v63  }
0x138: {  	s20 =	simm.s32 $0x5100  }
0x139: {  	[tilespmem:s20], [sflag:$0x1] =	stream.indirect_vreg.gather [hbm4b:s5+s3], $0x80, v3, vm0, $0xb8;
	[tilespmem:$0x10100] =	vst v63  }
0x13a: {  	s21 =	simm.s32 $0x5900  }
0x13b: {  	[tilespmem:s21], [sflag:$0x1] =	stream.indirect_vreg.gather [hbm4b:s6+s3], $0x80, v3, vm0, $0xb8;
	[tilespmem:$0x10100] =	vst v63  }
0x13c: {  	s22 =	simm.s32 $0x6100  }
0x13d: {  	[tilespmem:s22], [sflag:$0x1] =	stream.indirect_vreg.gather [hbm4b:s7+s3], $0x80, v3, vm0, $0xb8;
	[tilespmem:$0x10100] =	vst v63  }
0x13e: {  	s23 =	simm.s32 $0x6900  }
0x13f: {  	[tilespmem:s23], [sflag:$0x1] =	stream.indirect_vreg.gather [hbm4b:s8+s3], $0x80, v3, vm0, $0xb8;
	[tilespmem:$0x10100] =	vst v63  }
0x140: {  	s24 =	simm.s32 $0x7100  }
0x141: {  	[tilespmem:s24], [sflag:$0x1] =	stream.indirect_vreg.gather [hbm4b:s9+s3], $0x80, v3, vm0, $0xb8;
	[tilespmem:$0x10100] =	vst v63  }
0x142: {  	s31 =	simm.s32 $0x7900  }
0x143: {  	[tilespmem:s31], [sflag:$0x1] =	stream.indirect_vreg.gather [hbm4b:s10+s3], $0x80, v3, vm0, $0xb8;
	[tilespmem:$0x10100] =	vst v63  }
0x144: {  	_ =	swait.ge [sflag:s28], $0x8000  }
0x145: {  	[sflag:s28] =	ssyncset.done $0x0  }
0x146: {  	s31 =	rddreg [dreg:$0xa];
	[sflag:s28] =	ssyncadd.s32 $0xFFFF8000  }
0x147: {  	[hbm4b:s31+s3] =	stream.linear.scatter [tilespmem:s30], [sflag:$0x4], $0x8000, $0x38;
	[tilespmem:$0x10100] =	vst v63  }
0x148: {  	_ =	swait.ge [sflag:s29], $0x8000  }
0x149: {  	[sflag:s29] =	ssyncset.done $0x0  }
0x14a: {  	[sflag:s29] =	ssyncadd.s32 $0xFFFF8000  }
0x14b: {  	v3 =	vld [tilespmem:$0x70];
	_ =	sdelay $0x4  }
0x14c: {  	v55 =	vshll.u32 v3, $0x4  }
0x14d: {  	v3 =	vand.u32 $0x7, v3;
	v4 =	vand.u32 $0xFFFFFF80, v55  }
0x14e: {  	v3 =	vor.u32 v3, v4  }
0x14f: {  	v4 =	vperm.xlane v3, v0;
	_ =	sdelay $0x1  }
0x150: {  	v4 =	vadd.s32 v1, v4;
	_ =	sdelay $0x4  }
0x151: {  	[tilespmem:s30], [sflag:$0x2] =	stream.indirect_vreg.gather [hbm4b:s1+s3], $0x80, v4, vm0, $0xb8;
	[tilespmem:$0x10100] =	vst v63  }
0x152: {  	s14 =	simm.s32 $0x8900  }
0x153: {  	[tilespmem:s14], [sflag:$0x2] =	stream.indirect_vreg.gather [hbm4b:s4+s3], $0x80, v4, vm0, $0xb8;
	[tilespmem:$0x10100] =	vst v63  }
0x154: {  	s31 =	simm.s32 $0x9100  }
0x155: {  	[tilespmem:s31], [sflag:$0x2] =	stream.indirect_vreg.gather [hbm4b:s5+s3], $0x80, v4, vm0, $0xb8;
	[tilespmem:$0x10100] =	vst v63  }
0x156: {  	s31 =	simm.s32 $0x9900  }
0x157: {  	[tilespmem:s31], [sflag:$0x2] =	stream.indirect_vreg.gather [hbm4b:s6+s3], $0x80, v4, vm0, $0xb8;
	[tilespmem:$0x10100] =	vst v63  }
0x158: {  	s31 =	simm.s32 $0xA100  }
0x159: {  	[tilespmem:s31], [sflag:$0x2] =	stream.indirect_vreg.gather [hbm4b:s7+s3], $0x80, v4, vm0, $0xb8;
	[tilespmem:$0x10100] =	vst v63  }
0x15a: {  	v3 =	vperm.xlane v3, v2;
	s31 =	simm.s32 $0xA900  }
0x15b: {  	[tilespmem:s31], [sflag:$0x2] =	stream.indirect_vreg.gather [hbm4b:s8+s3], $0x80, v4, vm0, $0xb8;
	[tilespmem:$0x10100] =	vst v63  }
0x15c: {  	v3 =	vadd.s32 v1, v3;
	s31 =	simm.s32 $0xB100  }
0x15d: {  	[tilespmem:s31], [sflag:$0x2] =	stream.indirect_vreg.gather [hbm4b:s9+s3], $0x80, v4, vm0, $0xb8;
	[tilespmem:$0x10100] =	vst v63  }
0x15e: {  	s31 =	simm.s32 $0xB900  }
0x15f: {  	[tilespmem:s31], [sflag:$0x2] =	stream.indirect_vreg.gather [hbm4b:s10+s3], $0x80, v4, vm0, $0xb8;
	[tilespmem:$0x10100] =	vst v63  }
0x160: {  	s31 =	simm.s32 $0xC100  }
0x161: {  	[tilespmem:s31], [sflag:$0x2] =	stream.indirect_vreg.gather [hbm4b:s1+s3], $0x80, v3, vm0, $0xb8;
	[tilespmem:$0x10100] =	vst v63  }
0x162: {  	s31 =	simm.s32 $0xC900  }
0x163: {  	[tilespmem:s31], [sflag:$0x2] =	stream.indirect_vreg.gather [hbm4b:s4+s3], $0x80, v3, vm0, $0xb8;
	[tilespmem:$0x10100] =	vst v63  }
0x164: {  	s31 =	simm.s32 $0xD100  }
0x165: {  	[tilespmem:s31], [sflag:$0x2] =	stream.indirect_vreg.gather [hbm4b:s5+s3], $0x80, v3, vm0, $0xb8;
	[tilespmem:$0x10100] =	vst v63  }
0x166: {  	s31 =	simm.s32 $0xD900  }
0x167: {  	[tilespmem:s31], [sflag:$0x2] =	stream.indirect_vreg.gather [hbm4b:s6+s3], $0x80, v3, vm0, $0xb8;
	[tilespmem:$0x10100] =	vst v63  }
0x168: {  	s31 =	simm.s32 $0xE100  }
0x169: {  	[tilespmem:s31], [sflag:$0x2] =	stream.indirect_vreg.gather [hbm4b:s7+s3], $0x80, v3, vm0, $0xb8;
	[tilespmem:$0x10100] =	vst v63  }
0x16a: {  	s31 =	simm.s32 $0xE900  }
0x16b: {  	[tilespmem:s31], [sflag:$0x2] =	stream.indirect_vreg.gather [hbm4b:s8+s3], $0x80, v3, vm0, $0xb8;
	[tilespmem:$0x10100] =	vst v63  }
0x16c: {  	s31 =	simm.s32 $0xF100  }
0x16d: {  	[tilespmem:s31], [sflag:$0x2] =	stream.indirect_vreg.gather [hbm4b:s9+s3], $0x80, v3, vm0, $0xb8;
	[tilespmem:$0x10100] =	vst v63  }
0x16e: {  	s17 =	simm.s32 $0xF900  }
0x16f: {  	[tilespmem:s17], [sflag:$0x2] =	stream.indirect_vreg.gather [hbm4b:s10+s3], $0x80, v3, vm0, $0xb8;
	[tilespmem:$0x10100] =	vst v63  }
0x170: {  	_ =	swait.ge [sflag:s25], $0x8000  }
0x171: {  	[sflag:s25] =	ssyncset.done $0x0  }
0x172: {  	s31 =	rddreg [dreg:$0xb];
	[sflag:s25] =	ssyncadd.s32 $0xFFFF8000  }
0x173: {  	[hbm4b:s31+s3] =	stream.linear.scatter [tilespmem:s13], [sflag:$0x3], $0x8000, $0x38;
	[tilespmem:$0x10100] =	vst v63  }
0x174: {  	_ =	swait.ge [sflag:s26], $0x8000  }
0x175: {  	[sflag:s26] =	ssyncset.done $0x0  }
0x176: {  	[sflag:s26] =	ssyncadd.s32 $0xFFFF8000  }
0x177: {  	v3 =	vld [tilespmem:$0x80];
	_ =	sdelay $0x4  }
0x178: {  	v56 =	vshll.u32 v3, $0x4  }
0x179: {  	v3 =	vand.u32 $0x7, v3;
	v4 =	vand.u32 $0xFFFFFF80, v56  }
0x17a: {  	v3 =	vor.u32 v3, v4  }
0x17b: {  	v4 =	vperm.xlane v3, v0;
	_ =	sdelay $0x1  }
0x17c: {  	v4 =	vadd.s32 v1, v4;
	_ =	sdelay $0x4  }
0x17d: {  	[tilespmem:s13], [sflag:$0x1] =	stream.indirect_vreg.gather [hbm4b:s1+s3], $0x80, v4, vm0, $0xb8;
	[tilespmem:$0x10100] =	vst v63  }
0x17e: {  	s0 =	simm.s32 $0x900  }
0x17f: {  	[tilespmem:s0], [sflag:$0x1] =	stream.indirect_vreg.gather [hbm4b:s4+s3], $0x80, v4, vm0, $0xb8;
	[tilespmem:$0x10100] =	vst v63  }
0x180: {  	s2 =	simm.s32 $0x1100  }
0x181: {  	[tilespmem:s2], [sflag:$0x1] =	stream.indirect_vreg.gather [hbm4b:s5+s3], $0x80, v4, vm0, $0xb8;
	[tilespmem:$0x10100] =	vst v63  }
0x182: {  	s11 =	simm.s32 $0x1900  }
0x183: {  	[tilespmem:s11], [sflag:$0x1] =	stream.indirect_vreg.gather [hbm4b:s6+s3], $0x80, v4, vm0, $0xb8;
	[tilespmem:$0x10100] =	vst v63  }
0x184: {  	s31 =	simm.s32 $0x2100  }
0x185: {  	[tilespmem:s31], [sflag:$0x1] =	stream.indirect_vreg.gather [hbm4b:s7+s3], $0x80, v4, vm0, $0xb8;
	[tilespmem:$0x10100] =	vst v63  }
0x186: {  	v3 =	vperm.xlane v3, v2;
	s31 =	simm.s32 $0x2900  }
0x187: {  	[tilespmem:s31], [sflag:$0x1] =	stream.indirect_vreg.gather [hbm4b:s8+s3], $0x80, v4, vm0, $0xb8;
	[tilespmem:$0x10100] =	vst v63  }
0x188: {  	s12 =	simm.s32 $0x3100;
	v3 =	vadd.s32 v1, v3  }
0x189: {  	[tilespmem:s12], [sflag:$0x1] =	stream.indirect_vreg.gather [hbm4b:s9+s3], $0x80, v4, vm0, $0xb8;
	[tilespmem:$0x10100] =	vst v63  }
0x18a: {  	s16 =	simm.s32 $0x3900  }
0x18b: {  	[tilespmem:s16], [sflag:$0x1] =	stream.indirect_vreg.gather [hbm4b:s10+s3], $0x80, v4, vm0, $0xb8;
	[tilespmem:$0x10100] =	vst v63  }
0x18c: {  	s18 =	simm.s32 $0x4100  }
0x18d: {  	[tilespmem:s18], [sflag:$0x1] =	stream.indirect_vreg.gather [hbm4b:s1+s3], $0x80, v3, vm0, $0xb8;
	[tilespmem:$0x10100] =	vst v63  }
0x18e: {  	s19 =	simm.s32 $0x4900  }
0x18f: {  	[tilespmem:s19], [sflag:$0x1] =	stream.indirect_vreg.gather [hbm4b:s4+s3], $0x80, v3, vm0, $0xb8;
	[tilespmem:$0x10100] =	vst v63  }
0x190: {  	s20 =	simm.s32 $0x5100  }
0x191: {  	[tilespmem:s20], [sflag:$0x1] =	stream.indirect_vreg.gather [hbm4b:s5+s3], $0x80, v3, vm0, $0xb8;
	[tilespmem:$0x10100] =	vst v63  }
0x192: {  	s21 =	simm.s32 $0x5900  }
0x193: {  	[tilespmem:s21], [sflag:$0x1] =	stream.indirect_vreg.gather [hbm4b:s6+s3], $0x80, v3, vm0, $0xb8;
	[tilespmem:$0x10100] =	vst v63  }
0x194: {  	s22 =	simm.s32 $0x6100  }
0x195: {  	[tilespmem:s22], [sflag:$0x1] =	stream.indirect_vreg.gather [hbm4b:s7+s3], $0x80, v3, vm0, $0xb8;
	[tilespmem:$0x10100] =	vst v63  }
0x196: {  	s23 =	simm.s32 $0x6900  }
0x197: {  	[tilespmem:s23], [sflag:$0x1] =	stream.indirect_vreg.gather [hbm4b:s8+s3], $0x80, v3, vm0, $0xb8;
	[tilespmem:$0x10100] =	vst v63  }
0x198: {  	s24 =	simm.s32 $0x7100  }
0x199: {  	[tilespmem:s24], [sflag:$0x1] =	stream.indirect_vreg.gather [hbm4b:s9+s3], $0x80, v3, vm0, $0xb8;
	[tilespmem:$0x10100] =	vst v63  }
0x19a: {  	s31 =	simm.s32 $0x7900  }
0x19b: {  	[tilespmem:s31], [sflag:$0x1] =	stream.indirect_vreg.gather [hbm4b:s10+s3], $0x80, v3, vm0, $0xb8;
	[tilespmem:$0x10100] =	vst v63  }
0x19c: {  	_ =	swait.ge [sflag:s28], $0x8000  }
0x19d: {  	[sflag:s28] =	ssyncset.done $0x0  }
0x19e: {  	s31 =	rddreg [dreg:$0xc];
	[sflag:s28] =	ssyncadd.s32 $0xFFFF8000  }
0x19f: {  	[hbm4b:s31+s3] =	stream.linear.scatter [tilespmem:s30], [sflag:$0x4], $0x8000, $0x38;
	[tilespmem:$0x10100] =	vst v63  }
0x1a0: {  	_ =	swait.ge [sflag:s29], $0x8000  }
0x1a1: {  	[sflag:s29] =	ssyncset.done $0x0  }
0x1a2: {  	[sflag:s29] =	ssyncadd.s32 $0xFFFF8000  }
0x1a3: {  	v3 =	vld [tilespmem:$0x90];
	_ =	sdelay $0x4  }
0x1a4: {  	v57 =	vshll.u32 v3, $0x4  }
0x1a5: {  	v3 =	vand.u32 $0x7, v3;
	v4 =	vand.u32 $0xFFFFFF80, v57  }
0x1a6: {  	v3 =	vor.u32 v3, v4  }
0x1a7: {  	v4 =	vperm.xlane v3, v0;
	_ =	sdelay $0x1  }
0x1a8: {  	v4 =	vadd.s32 v1, v4;
	_ =	sdelay $0x4  }
0x1a9: {  	[tilespmem:s30], [sflag:$0x2] =	stream.indirect_vreg.gather [hbm4b:s1+s3], $0x80, v4, vm0, $0xb8;
	[tilespmem:$0x10100] =	vst v63  }
0x1aa: {  	s14 =	simm.s32 $0x8900  }
0x1ab: {  	[tilespmem:s14], [sflag:$0x2] =	stream.indirect_vreg.gather [hbm4b:s4+s3], $0x80, v4, vm0, $0xb8;
	[tilespmem:$0x10100] =	vst v63  }
0x1ac: {  	s31 =	simm.s32 $0x9100  }
0x1ad: {  	[tilespmem:s31], [sflag:$0x2] =	stream.indirect_vreg.gather [hbm4b:s5+s3], $0x80, v4, vm0, $0xb8;
	[tilespmem:$0x10100] =	vst v63  }
0x1ae: {  	s31 =	simm.s32 $0x9900  }
0x1af: {  	[tilespmem:s31], [sflag:$0x2] =	stream.indirect_vreg.gather [hbm4b:s6+s3], $0x80, v4, vm0, $0xb8;
	[tilespmem:$0x10100] =	vst v63  }
0x1b0: {  	s31 =	simm.s32 $0xA100  }
0x1b1: {  	[tilespmem:s31], [sflag:$0x2] =	stream.indirect_vreg.gather [hbm4b:s7+s3], $0x80, v4, vm0, $0xb8;
	[tilespmem:$0x10100] =	vst v63  }
0x1b2: {  	v3 =	vperm.xlane v3, v2;
	s31 =	simm.s32 $0xA900  }
0x1b3: {  	[tilespmem:s31], [sflag:$0x2] =	stream.indirect_vreg.gather [hbm4b:s8+s3], $0x80, v4, vm0, $0xb8;
	[tilespmem:$0x10100] =	vst v63  }
0x1b4: {  	v3 =	vadd.s32 v1, v3;
	s31 =	simm.s32 $0xB100  }
0x1b5: {  	[tilespmem:s31], [sflag:$0x2] =	stream.indirect_vreg.gather [hbm4b:s9+s3], $0x80, v4, vm0, $0xb8;
	[tilespmem:$0x10100] =	vst v63  }
0x1b6: {  	s31 =	simm.s32 $0xB900  }
0x1b7: {  	[tilespmem:s31], [sflag:$0x2] =	stream.indirect_vreg.gather [hbm4b:s10+s3], $0x80, v4, vm0, $0xb8;
	[tilespmem:$0x10100] =	vst v63  }
0x1b8: {  	s31 =	simm.s32 $0xC100  }
0x1b9: {  	[tilespmem:s31], [sflag:$0x2] =	stream.indirect_vreg.gather [hbm4b:s1+s3], $0x80, v3, vm0, $0xb8;
	[tilespmem:$0x10100] =	vst v63  }
0x1ba: {  	s31 =	simm.s32 $0xC900  }
0x1bb: {  	[tilespmem:s31], [sflag:$0x2] =	stream.indirect_vreg.gather [hbm4b:s4+s3], $0x80, v3, vm0, $0xb8;
	[tilespmem:$0x10100] =	vst v63  }
0x1bc: {  	s31 =	simm.s32 $0xD100  }
0x1bd: {  	[tilespmem:s31], [sflag:$0x2] =	stream.indirect_vreg.gather [hbm4b:s5+s3], $0x80, v3, vm0, $0xb8;
	[tilespmem:$0x10100] =	vst v63  }
0x1be: {  	s31 =	simm.s32 $0xD900  }
0x1bf: {  	[tilespmem:s31], [sflag:$0x2] =	stream.indirect_vreg.gather [hbm4b:s6+s3], $0x80, v3, vm0, $0xb8;
	[tilespmem:$0x10100] =	vst v63  }
0x1c0: {  	s31 =	simm.s32 $0xE100  }
0x1c1: {  	[tilespmem:s31], [sflag:$0x2] =	stream.indirect_vreg.gather [hbm4b:s7+s3], $0x80, v3, vm0, $0xb8;
	[tilespmem:$0x10100] =	vst v63  }
0x1c2: {  	s31 =	simm.s32 $0xE900  }
0x1c3: {  	[tilespmem:s31], [sflag:$0x2] =	stream.indirect_vreg.gather [hbm4b:s8+s3], $0x80, v3, vm0, $0xb8;
	[tilespmem:$0x10100] =	vst v63  }
0x1c4: {  	s31 =	simm.s32 $0xF100  }
0x1c5: {  	[tilespmem:s31], [sflag:$0x2] =	stream.indirect_vreg.gather [hbm4b:s9+s3], $0x80, v3, vm0, $0xb8;
	[tilespmem:$0x10100] =	vst v63  }
0x1c6: {  	s17 =	simm.s32 $0xF900  }
0x1c7: {  	[tilespmem:s17], [sflag:$0x2] =	stream.indirect_vreg.gather [hbm4b:s10+s3], $0x80, v3, vm0, $0xb8;
	[tilespmem:$0x10100] =	vst v63  }
0x1c8: {  	_ =	swait.ge [sflag:s25], $0x8000  }
0x1c9: {  	[sflag:s25] =	ssyncset.done $0x0  }
0x1ca: {  	s31 =	rddreg [dreg:$0xd];
	[sflag:s25] =	ssyncadd.s32 $0xFFFF8000  }
0x1cb: {  	[hbm4b:s31+s3] =	stream.linear.scatter [tilespmem:s13], [sflag:$0x3], $0x8000, $0x38;
	[tilespmem:$0x10100] =	vst v63  }
0x1cc: {  	_ =	swait.ge [sflag:s26], $0x8000  }
0x1cd: {  	[sflag:s26] =	ssyncset.done $0x0  }
0x1ce: {  	[sflag:s26] =	ssyncadd.s32 $0xFFFF8000  }
0x1cf: {  	v3 =	vld [tilespmem:$0xA0];
	_ =	sdelay $0x4  }
0x1d0: {  	v58 =	vshll.u32 v3, $0x4  }
0x1d1: {  	v3 =	vand.u32 $0x7, v3;
	v4 =	vand.u32 $0xFFFFFF80, v58  }
0x1d2: {  	v3 =	vor.u32 v3, v4  }
0x1d3: {  	v4 =	vperm.xlane v3, v0;
	_ =	sdelay $0x1  }
0x1d4: {  	v4 =	vadd.s32 v1, v4;
	_ =	sdelay $0x4  }
0x1d5: {  	[tilespmem:s13], [sflag:$0x1] =	stream.indirect_vreg.gather [hbm4b:s1+s3], $0x80, v4, vm0, $0xb8;
	[tilespmem:$0x10100] =	vst v63  }
0x1d6: {  	s0 =	simm.s32 $0x900  }
0x1d7: {  	[tilespmem:s0], [sflag:$0x1] =	stream.indirect_vreg.gather [hbm4b:s4+s3], $0x80, v4, vm0, $0xb8;
	[tilespmem:$0x10100] =	vst v63  }
0x1d8: {  	s2 =	simm.s32 $0x1100  }
0x1d9: {  	[tilespmem:s2], [sflag:$0x1] =	stream.indirect_vreg.gather [hbm4b:s5+s3], $0x80, v4, vm0, $0xb8;
	[tilespmem:$0x10100] =	vst v63  }
0x1da: {  	s11 =	simm.s32 $0x1900  }
0x1db: {  	[tilespmem:s11], [sflag:$0x1] =	stream.indirect_vreg.gather [hbm4b:s6+s3], $0x80, v4, vm0, $0xb8;
	[tilespmem:$0x10100] =	vst v63  }
0x1dc: {  	s31 =	simm.s32 $0x2100  }
0x1dd: {  	[tilespmem:s31], [sflag:$0x1] =	stream.indirect_vreg.gather [hbm4b:s7+s3], $0x80, v4, vm0, $0xb8;
	[tilespmem:$0x10100] =	vst v63  }
0x1de: {  	v3 =	vperm.xlane v3, v2;
	s31 =	simm.s32 $0x2900  }
0x1df: {  	[tilespmem:s31], [sflag:$0x1] =	stream.indirect_vreg.gather [hbm4b:s8+s3], $0x80, v4, vm0, $0xb8;
	[tilespmem:$0x10100] =	vst v63  }
0x1e0: {  	s12 =	simm.s32 $0x3100;
	v3 =	vadd.s32 v1, v3  }
0x1e1: {  	[tilespmem:s12], [sflag:$0x1] =	stream.indirect_vreg.gather [hbm4b:s9+s3], $0x80, v4, vm0, $0xb8;
	[tilespmem:$0x10100] =	vst v63  }
0x1e2: {  	s16 =	simm.s32 $0x3900  }
0x1e3: {  	[tilespmem:s16], [sflag:$0x1] =	stream.indirect_vreg.gather [hbm4b:s10+s3], $0x80, v4, vm0, $0xb8;
	[tilespmem:$0x10100] =	vst v63  }
0x1e4: {  	s18 =	simm.s32 $0x4100  }
0x1e5: {  	[tilespmem:s18], [sflag:$0x1] =	stream.indirect_vreg.gather [hbm4b:s1+s3], $0x80, v3, vm0, $0xb8;
	[tilespmem:$0x10100] =	vst v63  }
0x1e6: {  	s19 =	simm.s32 $0x4900  }
0x1e7: {  	[tilespmem:s19], [sflag:$0x1] =	stream.indirect_vreg.gather [hbm4b:s4+s3], $0x80, v3, vm0, $0xb8;
	[tilespmem:$0x10100] =	vst v63  }
0x1e8: {  	s20 =	simm.s32 $0x5100  }
0x1e9: {  	[tilespmem:s20], [sflag:$0x1] =	stream.indirect_vreg.gather [hbm4b:s5+s3], $0x80, v3, vm0, $0xb8;
	[tilespmem:$0x10100] =	vst v63  }
0x1ea: {  	s21 =	simm.s32 $0x5900  }
0x1eb: {  	[tilespmem:s21], [sflag:$0x1] =	stream.indirect_vreg.gather [hbm4b:s6+s3], $0x80, v3, vm0, $0xb8;
	[tilespmem:$0x10100] =	vst v63  }
0x1ec: {  	s22 =	simm.s32 $0x6100  }
0x1ed: {  	[tilespmem:s22], [sflag:$0x1] =	stream.indirect_vreg.gather [hbm4b:s7+s3], $0x80, v3, vm0, $0xb8;
	[tilespmem:$0x10100] =	vst v63  }
0x1ee: {  	s23 =	simm.s32 $0x6900  }
0x1ef: {  	[tilespmem:s23], [sflag:$0x1] =	stream.indirect_vreg.gather [hbm4b:s8+s3], $0x80, v3, vm0, $0xb8;
	[tilespmem:$0x10100] =	vst v63  }
0x1f0: {  	s24 =	simm.s32 $0x7100  }
0x1f1: {  	[tilespmem:s24], [sflag:$0x1] =	stream.indirect_vreg.gather [hbm4b:s9+s3], $0x80, v3, vm0, $0xb8;
	[tilespmem:$0x10100] =	vst v63  }
0x1f2: {  	s31 =	simm.s32 $0x7900  }
0x1f3: {  	[tilespmem:s31], [sflag:$0x1] =	stream.indirect_vreg.gather [hbm4b:s10+s3], $0x80, v3, vm0, $0xb8;
	[tilespmem:$0x10100] =	vst v63  }
0x1f4: {  	_ =	swait.ge [sflag:s28], $0x8000  }
0x1f5: {  	[sflag:s28] =	ssyncset.done $0x0  }
0x1f6: {  	s31 =	rddreg [dreg:$0xe];
	[sflag:s28] =	ssyncadd.s32 $0xFFFF8000  }
0x1f7: {  	[hbm4b:s31+s3] =	stream.linear.scatter [tilespmem:s30], [sflag:$0x4], $0x8000, $0x38;
	[tilespmem:$0x10100] =	vst v63  }
0x1f8: {  	_ =	swait.ge [sflag:s29], $0x8000  }
0x1f9: {  	[sflag:s29] =	ssyncset.done $0x0  }
0x1fa: {  	[sflag:s29] =	ssyncadd.s32 $0xFFFF8000  }
0x1fb: {  	v3 =	vld [tilespmem:$0xB0];
	_ =	sdelay $0x4  }
0x1fc: {  	v59 =	vshll.u32 v3, $0x4  }
0x1fd: {  	v3 =	vand.u32 $0x7, v3;
	v4 =	vand.u32 $0xFFFFFF80, v59  }
0x1fe: {  	v3 =	vor.u32 v3, v4  }
0x1ff: {  	v4 =	vperm.xlane v3, v0;
	_ =	sdelay $0x1  }
0x200: {  	v4 =	vadd.s32 v1, v4;
	_ =	sdelay $0x4  }
0x201: {  	[tilespmem:s30], [sflag:$0x2] =	stream.indirect_vreg.gather [hbm4b:s1+s3], $0x80, v4, vm0, $0xb8;
	[tilespmem:$0x10100] =	vst v63  }
0x202: {  	s14 =	simm.s32 $0x8900  }
0x203: {  	[tilespmem:s14], [sflag:$0x2] =	stream.indirect_vreg.gather [hbm4b:s4+s3], $0x80, v4, vm0, $0xb8;
	[tilespmem:$0x10100] =	vst v63  }
0x204: {  	s31 =	simm.s32 $0x9100  }
0x205: {  	[tilespmem:s31], [sflag:$0x2] =	stream.indirect_vreg.gather [hbm4b:s5+s3], $0x80, v4, vm0, $0xb8;
	[tilespmem:$0x10100] =	vst v63  }
0x206: {  	s31 =	simm.s32 $0x9900  }
0x207: {  	[tilespmem:s31], [sflag:$0x2] =	stream.indirect_vreg.gather [hbm4b:s6+s3], $0x80, v4, vm0, $0xb8;
	[tilespmem:$0x10100] =	vst v63  }
0x208: {  	s31 =	simm.s32 $0xA100  }
0x209: {  	[tilespmem:s31], [sflag:$0x2] =	stream.indirect_vreg.gather [hbm4b:s7+s3], $0x80, v4, vm0, $0xb8;
	[tilespmem:$0x10100] =	vst v63  }
0x20a: {  	v3 =	vperm.xlane v3, v2;
	s31 =	simm.s32 $0xA900  }
0x20b: {  	[tilespmem:s31], [sflag:$0x2] =	stream.indirect_vreg.gather [hbm4b:s8+s3], $0x80, v4, vm0, $0xb8;
	[tilespmem:$0x10100] =	vst v63  }
0x20c: {  	v3 =	vadd.s32 v1, v3;
	s31 =	simm.s32 $0xB100  }
0x20d: {  	[tilespmem:s31], [sflag:$0x2] =	stream.indirect_vreg.gather [hbm4b:s9+s3], $0x80, v4, vm0, $0xb8;
	[tilespmem:$0x10100] =	vst v63  }
0x20e: {  	s31 =	simm.s32 $0xB900  }
0x20f: {  	[tilespmem:s31], [sflag:$0x2] =	stream.indirect_vreg.gather [hbm4b:s10+s3], $0x80, v4, vm0, $0xb8;
	[tilespmem:$0x10100] =	vst v63  }
0x210: {  	s31 =	simm.s32 $0xC100  }
0x211: {  	[tilespmem:s31], [sflag:$0x2] =	stream.indirect_vreg.gather [hbm4b:s1+s3], $0x80, v3, vm0, $0xb8;
	[tilespmem:$0x10100] =	vst v63  }
0x212: {  	s31 =	simm.s32 $0xC900  }
0x213: {  	[tilespmem:s31], [sflag:$0x2] =	stream.indirect_vreg.gather [hbm4b:s4+s3], $0x80, v3, vm0, $0xb8;
	[tilespmem:$0x10100] =	vst v63  }
0x214: {  	s31 =	simm.s32 $0xD100  }
0x215: {  	[tilespmem:s31], [sflag:$0x2] =	stream.indirect_vreg.gather [hbm4b:s5+s3], $0x80, v3, vm0, $0xb8;
	[tilespmem:$0x10100] =	vst v63  }
0x216: {  	s31 =	simm.s32 $0xD900  }
0x217: {  	[tilespmem:s31], [sflag:$0x2] =	stream.indirect_vreg.gather [hbm4b:s6+s3], $0x80, v3, vm0, $0xb8;
	[tilespmem:$0x10100] =	vst v63  }
0x218: {  	s31 =	simm.s32 $0xE100  }
0x219: {  	[tilespmem:s31], [sflag:$0x2] =	stream.indirect_vreg.gather [hbm4b:s7+s3], $0x80, v3, vm0, $0xb8;
	[tilespmem:$0x10100] =	vst v63  }
0x21a: {  	s31 =	simm.s32 $0xE900  }
0x21b: {  	[tilespmem:s31], [sflag:$0x2] =	stream.indirect_vreg.gather [hbm4b:s8+s3], $0x80, v3, vm0, $0xb8;
	[tilespmem:$0x10100] =	vst v63  }
0x21c: {  	s31 =	simm.s32 $0xF100  }
0x21d: {  	[tilespmem:s31], [sflag:$0x2] =	stream.indirect_vreg.gather [hbm4b:s9+s3], $0x80, v3, vm0, $0xb8;
	[tilespmem:$0x10100] =	vst v63  }
0x21e: {  	s17 =	simm.s32 $0xF900  }
0x21f: {  	[tilespmem:s17], [sflag:$0x2] =	stream.indirect_vreg.gather [hbm4b:s10+s3], $0x80, v3, vm0, $0xb8;
	[tilespmem:$0x10100] =	vst v63  }
0x220: {  	_ =	swait.ge [sflag:s25], $0x8000  }
0x221: {  	[sflag:s25] =	ssyncset.done $0x0  }
0x222: {  	s17 =	rddreg [dreg:$0xf];
	[sflag:s25] =	ssyncadd.s32 $0xFFFF8000  }
0x223: {  	[hbm4b:s17+s3] =	stream.linear.scatter [tilespmem:s13], [sflag:$0x3], $0x8000, $0x38;
	[tilespmem:$0x10100] =	vst v63  }
0x224: {  	_ =	swait.ge [sflag:s26], $0x8000  }
0x225: {  	[sflag:s26] =	ssyncset.done $0x0  }
0x226: {  	[sflag:s26] =	ssyncadd.s32 $0xFFFF8000  }
0x227: {  	v3 =	vld [tilespmem:$0xC0];
	_ =	sdelay $0x4  }
0x228: {  	v60 =	vshll.u32 v3, $0x4  }
0x229: {  	v3 =	vand.u32 $0x7, v3;
	v4 =	vand.u32 $0xFFFFFF80, v60  }
0x22a: {  	v3 =	vor.u32 v3, v4  }
0x22b: {  	v4 =	vperm.xlane v3, v0;
	_ =	sdelay $0x1  }
0x22c: {  	v4 =	vadd.s32 v1, v4;
	_ =	sdelay $0x4  }
0x22d: {  	[tilespmem:s13], [sflag:$0x1] =	stream.indirect_vreg.gather [hbm4b:s1+s3], $0x80, v4, vm0, $0xb8;
	[tilespmem:$0x10100] =	vst v63  }
0x22e: {  	s0 =	simm.s32 $0x900  }
0x22f: {  	[tilespmem:s0], [sflag:$0x1] =	stream.indirect_vreg.gather [hbm4b:s4+s3], $0x80, v4, vm0, $0xb8;
	[tilespmem:$0x10100] =	vst v63  }
0x230: {  	s2 =	simm.s32 $0x1100  }
0x231: {  	[tilespmem:s2], [sflag:$0x1] =	stream.indirect_vreg.gather [hbm4b:s5+s3], $0x80, v4, vm0, $0xb8;
	[tilespmem:$0x10100] =	vst v63  }
0x232: {  	s11 =	simm.s32 $0x1900  }
0x233: {  	[tilespmem:s11], [sflag:$0x1] =	stream.indirect_vreg.gather [hbm4b:s6+s3], $0x80, v4, vm0, $0xb8;
	[tilespmem:$0x10100] =	vst v63  }
0x234: {  	s31 =	simm.s32 $0x2100  }
0x235: {  	[tilespmem:s31], [sflag:$0x1] =	stream.indirect_vreg.gather [hbm4b:s7+s3], $0x80, v4, vm0, $0xb8;
	[tilespmem:$0x10100] =	vst v63  }
0x236: {  	v3 =	vperm.xlane v3, v2;
	s31 =	simm.s32 $0x2900  }
0x237: {  	[tilespmem:s31], [sflag:$0x1] =	stream.indirect_vreg.gather [hbm4b:s8+s3], $0x80, v4, vm0, $0xb8;
	[tilespmem:$0x10100] =	vst v63  }
0x238: {  	s12 =	simm.s32 $0x3100;
	v3 =	vadd.s32 v1, v3  }
0x239: {  	[tilespmem:s12], [sflag:$0x1] =	stream.indirect_vreg.gather [hbm4b:s9+s3], $0x80, v4, vm0, $0xb8;
	[tilespmem:$0x10100] =	vst v63  }
0x23a: {  	s16 =	simm.s32 $0x3900  }
0x23b: {  	[tilespmem:s16], [sflag:$0x1] =	stream.indirect_vreg.gather [hbm4b:s10+s3], $0x80, v4, vm0, $0xb8;
	[tilespmem:$0x10100] =	vst v63  }
0x23c: {  	s18 =	simm.s32 $0x4100  }
0x23d: {  	[tilespmem:s18], [sflag:$0x1] =	stream.indirect_vreg.gather [hbm4b:s1+s3], $0x80, v3, vm0, $0xb8;
	[tilespmem:$0x10100] =	vst v63  }
0x23e: {  	s19 =	simm.s32 $0x4900  }
0x23f: {  	[tilespmem:s19], [sflag:$0x1] =	stream.indirect_vreg.gather [hbm4b:s4+s3], $0x80, v3, vm0, $0xb8;
	[tilespmem:$0x10100] =	vst v63  }
0x240: {  	s20 =	simm.s32 $0x5100  }
0x241: {  	[tilespmem:s20], [sflag:$0x1] =	stream.indirect_vreg.gather [hbm4b:s5+s3], $0x80, v3, vm0, $0xb8;
	[tilespmem:$0x10100] =	vst v63  }
0x242: {  	s21 =	simm.s32 $0x5900  }
0x243: {  	[tilespmem:s21], [sflag:$0x1] =	stream.indirect_vreg.gather [hbm4b:s6+s3], $0x80, v3, vm0, $0xb8;
	[tilespmem:$0x10100] =	vst v63  }
0x244: {  	s22 =	simm.s32 $0x6100  }
0x245: {  	[tilespmem:s22], [sflag:$0x1] =	stream.indirect_vreg.gather [hbm4b:s7+s3], $0x80, v3, vm0, $0xb8;
	[tilespmem:$0x10100] =	vst v63  }
0x246: {  	s23 =	simm.s32 $0x6900  }
0x247: {  	[tilespmem:s23], [sflag:$0x1] =	stream.indirect_vreg.gather [hbm4b:s8+s3], $0x80, v3, vm0, $0xb8;
	[tilespmem:$0x10100] =	vst v63  }
0x248: {  	s24 =	simm.s32 $0x7100  }
0x249: {  	[tilespmem:s24], [sflag:$0x1] =	stream.indirect_vreg.gather [hbm4b:s9+s3], $0x80, v3, vm0, $0xb8;
	[tilespmem:$0x10100] =	vst v63  }
0x24a: {  	s31 =	simm.s32 $0x7900  }
0x24b: {  	[tilespmem:s31], [sflag:$0x1] =	stream.indirect_vreg.gather [hbm4b:s10+s3], $0x80, v3, vm0, $0xb8;
	[tilespmem:$0x10100] =	vst v63  }
0x24c: {  	_ =	swait.ge [sflag:s28], $0x8000  }
0x24d: {  	[sflag:s28] =	ssyncset.done $0x0  }
0x24e: {  	s24 =	rddreg [dreg:$0x10];
	[sflag:s28] =	ssyncadd.s32 $0xFFFF8000  }
0x24f: {  	[hbm4b:s24+s3] =	stream.linear.scatter [tilespmem:s30], [sflag:$0x4], $0x8000, $0x38;
	[tilespmem:$0x10100] =	vst v63  }
0x250: {  	_ =	swait.ge [sflag:s29], $0x8000  }
0x251: {  	[sflag:s29] =	ssyncset.done $0x0  }
0x252: {  	[sflag:s29] =	ssyncadd.s32 $0xFFFF8000  }
0x253: {  	v3 =	vld [tilespmem:$0xD0];
	_ =	sdelay $0x4  }
0x254: {  	v61 =	vshll.u32 v3, $0x4  }
0x255: {  	v3 =	vand.u32 $0x7, v3;
	v4 =	vand.u32 $0xFFFFFF80, v61  }
0x256: {  	v3 =	vor.u32 v3, v4  }
0x257: {  	v4 =	vperm.xlane v3, v0;
	_ =	sdelay $0x1  }
0x258: {  	v4 =	vadd.s32 v1, v4;
	_ =	sdelay $0x4  }
0x259: {  	[tilespmem:s30], [sflag:$0x2] =	stream.indirect_vreg.gather [hbm4b:s1+s3], $0x80, v4, vm0, $0xb8;
	[tilespmem:$0x10100] =	vst v63  }
0x25a: {  	s14 =	simm.s32 $0x8900  }
0x25b: {  	[tilespmem:s14], [sflag:$0x2] =	stream.indirect_vreg.gather [hbm4b:s4+s3], $0x80, v4, vm0, $0xb8;
	[tilespmem:$0x10100] =	vst v63  }
0x25c: {  	s31 =	simm.s32 $0x9100  }
0x25d: {  	[tilespmem:s31], [sflag:$0x2] =	stream.indirect_vreg.gather [hbm4b:s5+s3], $0x80, v4, vm0, $0xb8;
	[tilespmem:$0x10100] =	vst v63  }
0x25e: {  	s31 =	simm.s32 $0x9900  }
0x25f: {  	[tilespmem:s31], [sflag:$0x2] =	stream.indirect_vreg.gather [hbm4b:s6+s3], $0x80, v4, vm0, $0xb8;
	[tilespmem:$0x10100] =	vst v63  }
0x260: {  	s31 =	simm.s32 $0xA100  }
0x261: {  	[tilespmem:s31], [sflag:$0x2] =	stream.indirect_vreg.gather [hbm4b:s7+s3], $0x80, v4, vm0, $0xb8;
	[tilespmem:$0x10100] =	vst v63  }
0x262: {  	v3 =	vperm.xlane v3, v2;
	s31 =	simm.s32 $0xA900  }
0x263: {  	[tilespmem:s31], [sflag:$0x2] =	stream.indirect_vreg.gather [hbm4b:s8+s3], $0x80, v4, vm0, $0xb8;
	[tilespmem:$0x10100] =	vst v63  }
0x264: {  	v3 =	vadd.s32 v1, v3;
	s31 =	simm.s32 $0xB100  }
0x265: {  	[tilespmem:s31], [sflag:$0x2] =	stream.indirect_vreg.gather [hbm4b:s9+s3], $0x80, v4, vm0, $0xb8;
	[tilespmem:$0x10100] =	vst v63  }
0x266: {  	s31 =	simm.s32 $0xB900  }
0x267: {  	[tilespmem:s31], [sflag:$0x2] =	stream.indirect_vreg.gather [hbm4b:s10+s3], $0x80, v4, vm0, $0xb8;
	[tilespmem:$0x10100] =	vst v63  }
0x268: {  	s31 =	simm.s32 $0xC100  }
0x269: {  	[tilespmem:s31], [sflag:$0x2] =	stream.indirect_vreg.gather [hbm4b:s1+s3], $0x80, v3, vm0, $0xb8;
	[tilespmem:$0x10100] =	vst v63  }
0x26a: {  	s31 =	simm.s32 $0xC900  }
0x26b: {  	[tilespmem:s31], [sflag:$0x2] =	stream.indirect_vreg.gather [hbm4b:s4+s3], $0x80, v3, vm0, $0xb8;
	[tilespmem:$0x10100] =	vst v63  }
0x26c: {  	s31 =	simm.s32 $0xD100  }
0x26d: {  	[tilespmem:s31], [sflag:$0x2] =	stream.indirect_vreg.gather [hbm4b:s5+s3], $0x80, v3, vm0, $0xb8;
	[tilespmem:$0x10100] =	vst v63  }
0x26e: {  	s31 =	simm.s32 $0xD900  }
0x26f: {  	[tilespmem:s31], [sflag:$0x2] =	stream.indirect_vreg.gather [hbm4b:s6+s3], $0x80, v3, vm0, $0xb8;
	[tilespmem:$0x10100] =	vst v63  }
0x270: {  	s31 =	simm.s32 $0xE100  }
0x271: {  	[tilespmem:s31], [sflag:$0x2] =	stream.indirect_vreg.gather [hbm4b:s7+s3], $0x80, v3, vm0, $0xb8;
	[tilespmem:$0x10100] =	vst v63  }
0x272: {  	s31 =	simm.s32 $0xE900  }
0x273: {  	[tilespmem:s31], [sflag:$0x2] =	stream.indirect_vreg.gather [hbm4b:s8+s3], $0x80, v3, vm0, $0xb8;
	[tilespmem:$0x10100] =	vst v63  }
0x274: {  	s31 =	simm.s32 $0xF100  }
0x275: {  	[tilespmem:s31], [sflag:$0x2] =	stream.indirect_vreg.gather [hbm4b:s9+s3], $0x80, v3, vm0, $0xb8;
	[tilespmem:$0x10100] =	vst v63  }
0x276: {  	s31 =	simm.s32 $0xF900  }
0x277: {  	[tilespmem:s31], [sflag:$0x2] =	stream.indirect_vreg.gather [hbm4b:s10+s3], $0x80, v3, vm0, $0xb8;
	[tilespmem:$0x10100] =	vst v63  }
0x278: {  	_ =	swait.ge [sflag:s25], $0x8000  }
0x279: {  	[sflag:s25] =	ssyncset.done $0x0  }
0x27a: {  	s31 =	rddreg [dreg:$0x11];
	[sflag:s25] =	ssyncadd.s32 $0xFFFF8000  }
0x27b: {  	[hbm4b:s31+s3] =	stream.linear.scatter [tilespmem:s13], [sflag:$0x3], $0x8000, $0x38;
	[tilespmem:$0x10100] =	vst v63  }
0x27c: {  	_ =	swait.ge [sflag:s26], $0x8000  }
0x27d: {  	[sflag:s26] =	ssyncset.done $0x0  }
0x27e: {  	[sflag:s26] =	ssyncadd.s32 $0xFFFF8000  }
0x27f: {  	v3 =	vld [tilespmem:$0xE0];
	_ =	sdelay $0x4  }
0x280: {  	v62 =	vshll.u32 v3, $0x4  }
0x281: {  	v3 =	vand.u32 $0x7, v3;
	v4 =	vand.u32 $0xFFFFFF80, v62  }
0x282: {  	v3 =	vor.u32 v3, v4  }
0x283: {  	v4 =	vperm.xlane v3, v0;
	_ =	sdelay $0x1  }
0x284: {  	v4 =	vadd.s32 v1, v4;
	_ =	sdelay $0x4  }
0x285: {  	[tilespmem:s13], [sflag:$0x1] =	stream.indirect_vreg.gather [hbm4b:s1+s3], $0x80, v4, vm0, $0xb8;
	[tilespmem:$0x10100] =	vst v63  }
0x286: {  	s17 =	simm.s32 $0x900  }
0x287: {  	[tilespmem:s17], [sflag:$0x1] =	stream.indirect_vreg.gather [hbm4b:s4+s3], $0x80, v4, vm0, $0xb8;
	[tilespmem:$0x10100] =	vst v63  }
0x288: {  	s0 =	simm.s32 $0x1100  }
0x289: {  	[tilespmem:s0], [sflag:$0x1] =	stream.indirect_vreg.gather [hbm4b:s5+s3], $0x80, v4, vm0, $0xb8;
	[tilespmem:$0x10100] =	vst v63  }
0x28a: {  	s2 =	simm.s32 $0x1900  }
0x28b: {  	[tilespmem:s2], [sflag:$0x1] =	stream.indirect_vreg.gather [hbm4b:s6+s3], $0x80, v4, vm0, $0xb8;
	[tilespmem:$0x10100] =	vst v63  }
0x28c: {  	s2 =	simm.s32 $0x2100  }
0x28d: {  	[tilespmem:s2], [sflag:$0x1] =	stream.indirect_vreg.gather [hbm4b:s7+s3], $0x80, v4, vm0, $0xb8;
	[tilespmem:$0x10100] =	vst v63  }
0x28e: {  	v3 =	vperm.xlane v3, v2;
	s17 =	simm.s32 $0x2900  }
0x28f: {  	[tilespmem:s17], [sflag:$0x1] =	stream.indirect_vreg.gather [hbm4b:s8+s3], $0x80, v4, vm0, $0xb8;
	[tilespmem:$0x10100] =	vst v63  }
0x290: {  	s11 =	simm.s32 $0x3100;
	v3 =	vadd.s32 v1, v3  }
0x291: {  	[tilespmem:s11], [sflag:$0x1] =	stream.indirect_vreg.gather [hbm4b:s9+s3], $0x80, v4, vm0, $0xb8;
	[tilespmem:$0x10100] =	vst v63  }
0x292: {  	s12 =	simm.s32 $0x3900  }
0x293: {  	[tilespmem:s12], [sflag:$0x1] =	stream.indirect_vreg.gather [hbm4b:s10+s3], $0x80, v4, vm0, $0xb8;
	[tilespmem:$0x10100] =	vst v63  }
0x294: {  	s16 =	simm.s32 $0x4100  }
0x295: {  	[tilespmem:s16], [sflag:$0x1] =	stream.indirect_vreg.gather [hbm4b:s1+s3], $0x80, v3, vm0, $0xb8;
	[tilespmem:$0x10100] =	vst v63  }
0x296: {  	s18 =	simm.s32 $0x4900  }
0x297: {  	[tilespmem:s18], [sflag:$0x1] =	stream.indirect_vreg.gather [hbm4b:s4+s3], $0x80, v3, vm0, $0xb8;
	[tilespmem:$0x10100] =	vst v63  }
0x298: {  	s19 =	simm.s32 $0x5100  }
0x299: {  	[tilespmem:s19], [sflag:$0x1] =	stream.indirect_vreg.gather [hbm4b:s5+s3], $0x80, v3, vm0, $0xb8;
	[tilespmem:$0x10100] =	vst v63  }
0x29a: {  	s20 =	simm.s32 $0x5900  }
0x29b: {  	[tilespmem:s20], [sflag:$0x1] =	stream.indirect_vreg.gather [hbm4b:s6+s3], $0x80, v3, vm0, $0xb8;
	[tilespmem:$0x10100] =	vst v63  }
0x29c: {  	s21 =	simm.s32 $0x6100  }
0x29d: {  	[tilespmem:s21], [sflag:$0x1] =	stream.indirect_vreg.gather [hbm4b:s7+s3], $0x80, v3, vm0, $0xb8;
	[tilespmem:$0x10100] =	vst v63  }
0x29e: {  	s22 =	simm.s32 $0x6900  }
0x29f: {  	[tilespmem:s22], [sflag:$0x1] =	stream.indirect_vreg.gather [hbm4b:s8+s3], $0x80, v3, vm0, $0xb8;
	[tilespmem:$0x10100] =	vst v63  }
0x2a0: {  	s23 =	simm.s32 $0x7100  }
0x2a1: {  	[tilespmem:s23], [sflag:$0x1] =	stream.indirect_vreg.gather [hbm4b:s9+s3], $0x80, v3, vm0, $0xb8;
	[tilespmem:$0x10100] =	vst v63  }
0x2a2: {  	s22 =	simm.s32 $0x7900  }
0x2a3: {  	[tilespmem:s22], [sflag:$0x1] =	stream.indirect_vreg.gather [hbm4b:s10+s3], $0x80, v3, vm0, $0xb8;
	[tilespmem:$0x10100] =	vst v63  }
0x2a4: {  	_ =	swait.ge [sflag:s28], $0x8000  }
0x2a5: {  	[sflag:s28] =	ssyncset.done $0x0  }
0x2a6: {  	s23 =	rddreg [dreg:$0x12];
	[sflag:s28] =	ssyncadd.s32 $0xFFFF8000  }
0x2a7: {  	[hbm4b:s23+s3] =	stream.linear.scatter [tilespmem:s30], [sflag:$0x4], $0x8000, $0x38;
	[tilespmem:$0x10100] =	vst v63  }
0x2a8: {  	_ =	swait.ge [sflag:s29], $0x8000  }
0x2a9: {  	[sflag:s29] =	ssyncset.done $0x0  }
0x2aa: {  	[sflag:s29] =	ssyncadd.s32 $0xFFFF8000  }
0x2ab: {  	v3 =	vld [tilespmem:$0xF0];
	_ =	sdelay $0x4  }
0x2ac: {  	v63 =	vshll.u32 v3, $0x4  }
0x2ad: {  	v3 =	vand.u32 $0x7, v3;
	v4 =	vand.u32 $0xFFFFFF80, v63  }
0x2ae: {  	v3 =	vor.u32 v3, v4  }
0x2af: {  	v4 =	vperm.xlane v3, v0;
	_ =	sdelay $0x1  }
0x2b0: {  	v4 =	vadd.s32 v1, v4;
	_ =	sdelay $0x4  }
0x2b1: {  	[tilespmem:s30], [sflag:$0x2] =	stream.indirect_vreg.gather [hbm4b:s1+s3], $0x80, v4, vm0, $0xb8;
	[tilespmem:$0x10100] =	vst v63  }
0x2b2: {  	s24 =	simm.s32 $0x8900  }
0x2b3: {  	[tilespmem:s24], [sflag:$0x2] =	stream.indirect_vreg.gather [hbm4b:s4+s3], $0x80, v4, vm0, $0xb8;
	[tilespmem:$0x10100] =	vst v63  }
0x2b4: {  	s14 =	simm.s32 $0x9100  }
0x2b5: {  	[tilespmem:s14], [sflag:$0x2] =	stream.indirect_vreg.gather [hbm4b:s5+s3], $0x80, v4, vm0, $0xb8;
	[tilespmem:$0x10100] =	vst v63  }
0x2b6: {  	s24 =	simm.s32 $0x9900  }
0x2b7: {  	[tilespmem:s24], [sflag:$0x2] =	stream.indirect_vreg.gather [hbm4b:s6+s3], $0x80, v4, vm0, $0xb8;
	[tilespmem:$0x10100] =	vst v63  }
0x2b8: {  	s31 =	simm.s32 $0xA100  }
0x2b9: {  	[tilespmem:s31], [sflag:$0x2] =	stream.indirect_vreg.gather [hbm4b:s7+s3], $0x80, v4, vm0, $0xb8;
	[tilespmem:$0x10100] =	vst v63  }
0x2ba: {  	s2 =	simm.s32 $0xA900;
	v3 =	vperm.xlane v3, v2  }
0x2bb: {  	[tilespmem:s2], [sflag:$0x2] =	stream.indirect_vreg.gather [hbm4b:s8+s3], $0x80, v4, vm0, $0xb8;
	[tilespmem:$0x10100] =	vst v63  }
0x2bc: {  	s11 =	simm.s32 $0xB100;
	v3 =	vadd.s32 v1, v3  }
0x2bd: {  	[tilespmem:s11], [sflag:$0x2] =	stream.indirect_vreg.gather [hbm4b:s9+s3], $0x80, v4, vm0, $0xb8;
	[tilespmem:$0x10100] =	vst v63  }
0x2be: {  	s12 =	simm.s32 $0xB900  }
0x2bf: {  	[tilespmem:s12], [sflag:$0x2] =	stream.indirect_vreg.gather [hbm4b:s10+s3], $0x80, v4, vm0, $0xb8;
	[tilespmem:$0x10100] =	vst v63  }
0x2c0: {  	s14 =	simm.s32 $0xC100  }
0x2c1: {  	[tilespmem:s14], [sflag:$0x2] =	stream.indirect_vreg.gather [hbm4b:s1+s3], $0x80, v3, vm0, $0xb8;
	[tilespmem:$0x10100] =	vst v63  }
0x2c2: {  	s16 =	simm.s32 $0xC900  }
0x2c3: {  	[tilespmem:s16], [sflag:$0x2] =	stream.indirect_vreg.gather [hbm4b:s4+s3], $0x80, v3, vm0, $0xb8;
	[tilespmem:$0x10100] =	vst v63  }
0x2c4: {  	s17 =	simm.s32 $0xD100  }
0x2c5: {  	[tilespmem:s17], [sflag:$0x2] =	stream.indirect_vreg.gather [hbm4b:s5+s3], $0x80, v3, vm0, $0xb8;
	[tilespmem:$0x10100] =	vst v63  }
0x2c6: {  	s18 =	simm.s32 $0xD900  }
0x2c7: {  	[tilespmem:s18], [sflag:$0x2] =	stream.indirect_vreg.gather [hbm4b:s6+s3], $0x80, v3, vm0, $0xb8;
	[tilespmem:$0x10100] =	vst v63  }
0x2c8: {  	s19 =	simm.s32 $0xE100  }
0x2c9: {  	[tilespmem:s19], [sflag:$0x2] =	stream.indirect_vreg.gather [hbm4b:s7+s3], $0x80, v3, vm0, $0xb8;
	[tilespmem:$0x10100] =	vst v63  }
0x2ca: {  	s20 =	simm.s32 $0xE900  }
0x2cb: {  	[tilespmem:s20], [sflag:$0x2] =	stream.indirect_vreg.gather [hbm4b:s8+s3], $0x80, v3, vm0, $0xb8;
	[tilespmem:$0x10100] =	vst v63  }
0x2cc: {  	s21 =	simm.s32 $0xF100  }
0x2cd: {  	[tilespmem:s21], [sflag:$0x2] =	stream.indirect_vreg.gather [hbm4b:s9+s3], $0x80, v3, vm0, $0xb8;
	[tilespmem:$0x10100] =	vst v63  }
0x2ce: {  	s22 =	simm.s32 $0xF900  }
0x2cf: {  	[tilespmem:s22], [sflag:$0x2] =	stream.indirect_vreg.gather [hbm4b:s10+s3], $0x80, v3, vm0, $0xb8;
	[tilespmem:$0x10100] =	vst v63  }
0x2d0: {  	_ =	swait.ge [sflag:s25], $0x8000  }
0x2d1: {  	[sflag:s25] =	ssyncset.done $0x0  }
0x2d2: {  	s23 =	rddreg [dreg:$0x13];
	[sflag:s25] =	ssyncadd.s32 $0xFFFF8000  }
0x2d3: {  	[hbm4b:s23+s3] =	stream.linear.scatter [tilespmem:s13], [sflag:$0x3], $0x8000, $0x38;
	[tilespmem:$0x10100] =	vst v63  }
0x2d4: {  	_ =	swait.ge [sflag:s28], $0x8000  }
0x2d5: {  	[sflag:s28] =	ssyncset.done $0x0  }
0x2d6: {  	s24 =	rddreg [dreg:$0x14];
	[sflag:s28] =	ssyncadd.s32 $0xFFFF8000  }
0x2d7: {  	[hbm4b:s24+s3] =	stream.linear.scatter [tilespmem:s30], [sflag:$0x4], $0x8000, $0x38;
	[tilespmem:$0x10100] =	vst v63  }
0x2d8: {  	p0 =	sne.s32 s15, $0x1;
	_ =	swait.ge [sflag:s26], $0x8000  }
.Ltmp0:
0x2d9: {  	[sflag:s26] =	ssyncset.done $0x0;
	(pc) =	sbr.rel @p0 .LBB2_1-.Ltmp0, $4  }
0x2da: {  	[sflag:s26] =	ssyncadd.s32 $0xFFFF8000  }
0x2db: {  	_ =	swait.ge [sflag:s29], $0x8000  }
0x2dc: {  	[sflag:s29] =	ssyncset.done $0x0  }
0x2dd: {  	s15 =	sadd.s32 $0xFFFFFFFF, s15;
	[sflag:s29] =	ssyncadd.s32 $0xFFFF8000  }
0x2de: {  	_ =	sfence.sel $0x180000  }
0x2df: {  	[bflag:$0x0] =	sbarrier.arrive $0xFFFF  }
0x2e0: {  	_ =	strace $0x9000004A  }
0x2e1: {  	s0 =	stileid.u32;
	[bflag:$0x2] =	sbarrier.arrive $0xFFFF  }
0x2e2: {  	p0 =	sne.s32 s0, $0x0;
	s0 =	rddreg [dreg:$0x3]  }
0x2e3: {  	s0 =	sadd.s32 @!p0 $0x100000, s0  }
0x2e4: {  	[sflag:s0] =	ssyncadd.tile.s32 @!p0 $0x1;
	_ =	shalt  }
.Lfunc_end2:
_tile_overlayer_lowered:
.L_overlay_start_2:
0x2e5: {  	(tag) =	ssettag $0x2  }
0x2e6: {  	s0 =	rddreg [dreg:$0x0];
	s2 =	stileid.u32  }
0x2e7: {  	s1 =	rddreg [dreg:$0x1];
	p0 =	sne.s32 s2, $0x0  }
0x2e8: {  	s3 =	rddreg [dreg:$0x2];
	[bflag:$0x3] =	sbarrier.arrive $0xFFFF;
	s2 =	simm.s32 @!p0 $0x1C05  }
0x2e9: {  	[timem:s3], [sflag:s2] =	dma.local @!p0 [hbm:s0], s1  }
0x2ea: {  	s0 =	simm.s32 @!p0 $0x5  }
0x2eb: {  	_ =	swait.ge @!p0 [sflag:s0], s1  }
0x2ec: {  	s1 =	ssub.s32 @!p0 $0x0, s1;
	[sflag:s0] =	ssyncset.done @!p0 $0x0  }
0x2ed: {  	[sflag:s0] =	ssyncadd.s32 @!p0 s1  }
0x2ee: {  	[bflag:$0x3] =	sbarrier.arrive $0xFFFF  }
0x2ef: {  	_ =	shalt  }

</sc_bundles>
